<compile_context>
chip_gen: v7x
topology: tpu7x:2x2x1
jax: 0.10.2.dev20260603
libtpu: 0.0.44.dev20260713+nightly
codegen_flags: <defaults>
</compile_context>

<pallas_src>
import jax
import jax.numpy as jnp
from jax import lax
from jax.experimental import pallas as pl
from jax.experimental.pallas import tpu as pltpu

T, N, E = 2, 4096, 131072
X_DIM, H_DIM, Z_DIM = 128, 256, 64
EPS = 1e-10

_INTERPRET = False
_PREC = lax.Precision.DEFAULT


def _dot(a, b, prec=None):
    return lax.dot_general(a, b, (((1,), (0,)), ((), ())),
                           preferred_element_type=jnp.float32,
                           precision=prec or _PREC)


def _softplus(x):
    return jnp.maximum(x, 0.0) + jnp.log1p(jnp.exp(-jnp.abs(x)))


def _pc(body, grid, in_specs, out_specs, out_shape, scratch_shapes=(),
        dimension_semantics=None):
    params = {}
    if dimension_semantics is not None:
        params["dimension_semantics"] = dimension_semantics
    return pl.pallas_call(
        body, grid=grid, in_specs=in_specs, out_specs=out_specs,
        out_shape=out_shape, scratch_shapes=list(scratch_shapes),
        interpret=_INTERPRET,
        compiler_params=pltpu.CompilerParams(**params) if params else None,
    )


BR = 1024
_R = N // BR


def _rows(c):
    return pl.BlockSpec((BR, c), lambda r, *_: (r, 0))


def _full(k, c):
    return pl.BlockSpec((k, c), lambda *_: (0, 0))


def _fuse1_body(x_ref, h_ref, wphi_ref, w1_ref, w2_ref, phi_ref, y_ref):
    phi = jnp.maximum(_dot(x_ref[...], wphi_ref[...]), 0.0)
    phi_ref[...] = phi
    y_ref[...] = _dot(phi, w1_ref[...]) + _dot(h_ref[...], w2_ref[...])


def _fuse1(x_t, h, wphi, w1, w2):
    return _pc(
        _fuse1_body, (_R,),
        [_rows(X_DIM), _rows(H_DIM), _full(X_DIM, H_DIM),
         _full(H_DIM, 2 * H_DIM), _full(H_DIM, 2 * H_DIM)],
        [_rows(H_DIM), _rows(2 * H_DIM)],
        (jax.ShapeDtypeStruct((N, H_DIM), jnp.float32),
         jax.ShapeDtypeStruct((N, 2 * H_DIM), jnp.float32)),
    )(x_t, h, wphi, w1, w2)


def _pri_body(h_ref, wp_ref, bp_ref, wbd_ref, bbd_ref, out_ref):
    pt = jnp.maximum(_dot(h_ref[...], wp_ref[...]) + bp_ref[...], 0.0)
    v = _dot(pt, wbd_ref[...]) + bbd_ref[...]
    out_ref[...] = jnp.concatenate(
        [v[:, : 2 * Z_DIM], _softplus(v[:, 2 * Z_DIM:])], axis=1)


def _pri(h, wp, bp, wbd, bbd):
    return _pc(
        _pri_body, (_R,),
        [_rows(H_DIM), _full(H_DIM, 2 * H_DIM), _full(1, 2 * H_DIM),
         _full(2 * H_DIM, 4 * Z_DIM), _full(1, 4 * Z_DIM)],
        [_rows(4 * Z_DIM)],
        (jax.ShapeDtypeStruct((N, 4 * Z_DIM), jnp.float32),),
    )(h, wp, bp, wbd, bbd)[0]


def _d4_body(enc_ref, w_ref, dinv_ref, out_ref):
    v = _dot(enc_ref[...], w_ref[...])
    out_ref[...] = jnp.concatenate(
        [v[:, : 2 * Z_DIM] * dinv_ref[...], v[:, 2 * Z_DIM:]], axis=1)


def _d4(enc, wbd2, dinv):
    return _pc(
        _d4_body, (_R,),
        [_rows(2 * H_DIM), _full(2 * H_DIM, 4 * Z_DIM),
         pl.BlockSpec((BR, 1), lambda r: (r, 0))],
        [_rows(4 * Z_DIM)],
        (jax.ShapeDtypeStruct((N, 4 * Z_DIM), jnp.float32),),
    )(enc, wbd2, dinv)[0]


def _d5_body(enc_ref, n_ref, wpz_ref, z_ref, pz_ref):
    z = enc_ref[:, : 2 * Z_DIM] + n_ref[...] * enc_ref[:, 2 * Z_DIM:]
    z_ref[...] = z
    pz_ref[...] = jnp.maximum(_dot(z, wpz_ref[...]), 0.0)


def _d5(enc_all, noise, wpz):
    return _pc(
        _d5_body, (_R,),
        [_rows(4 * Z_DIM), _rows(2 * Z_DIM), _full(2 * Z_DIM, H_DIM)],
        [_rows(2 * Z_DIM), _rows(H_DIM)],
        (jax.ShapeDtypeStruct((N, 2 * Z_DIM), jnp.float32),
         jax.ShapeDtypeStruct((N, H_DIM), jnp.float32)),
    )(enc_all, noise, wpz)


def _d6_body(phi_ref, pz_ref, h_ref, a1_ref, a2_ref, a3_ref, out_ref):
    out_ref[...] = (_dot(phi_ref[...], a1_ref[...])
                    + _dot(pz_ref[...], a2_ref[...])
                    + _dot(h_ref[...], a3_ref[...]))


def _d6(phi, phiz, h, a1, a2, a3):
    c = 3 * H_DIM
    return _pc(
        _d6_body, (_R,),
        [_rows(H_DIM), _rows(H_DIM), _rows(H_DIM),
         _full(H_DIM, c), _full(H_DIM, c), _full(H_DIM, c)],
        [_rows(c)],
        (jax.ShapeDtypeStruct((N, c), jnp.float32),),
    )(phi, phiz, h, a1, a2, a3)[0]


def _d7_body(rg_ref, h_ref, whh_ref, ah_ref, out_ref):
    out_ref[...] = _dot(rg_ref[...] * h_ref[...], whh_ref[...]) + ah_ref[...]


def _d7(rg, h, whh, ah):
    return _pc(
        _d7_body, (_R,),
        [_rows(H_DIM), _rows(H_DIM), _full(H_DIM, H_DIM), _rows(H_DIM)],
        [_rows(H_DIM)],
        (jax.ShapeDtypeStruct((N, H_DIM), jnp.float32),),
    )(rg, h, whh, ah)[0]


BK = 1024
_K = N // BK


def _amm_specs(c, extra_specs, extra_outs):
    in_specs = [
        pl.BlockSpec((BR, BK), lambda r, k: (r, k)),
        pl.BlockSpec((BK, c), lambda r, k: (k, 0)),
        pl.BlockSpec((BR, c), lambda r, k: (r, 0)),
    ] + extra_specs
    out_specs = [pl.BlockSpec((BR, c), lambda r, k: (r, 0))] + extra_outs
    return in_specs, out_specs


def _amm1_body(a_ref, xk_ref, xr_ref, b_ref, out_ref, deg_ref, acc, dacc):
    k = pl.program_id(1)

    @pl.when(k == 0)
    def _():
        acc[...] = jnp.zeros_like(acc)
        dacc[...] = jnp.zeros_like(dacc)

    ablk = a_ref[...]
    acc[...] += _dot(ablk, xk_ref[...].astype(jnp.bfloat16))
    dacc[...] += jnp.sum(ablk.astype(jnp.float32), axis=1, keepdims=True)

    @pl.when(k == _K - 1)
    def _():
        out_ref[...] = jnp.maximum(acc[...] + xr_ref[...] + b_ref[...], 0.0)
        deg_ref[...] = dacc[...] + 1.0


def _amm1(A, X, bias):
    c = 2 * H_DIM
    in_specs, out_specs = _amm_specs(
        c, [_full(1, c)], [pl.BlockSpec((BR, 1), lambda r, k: (r, 0))])
    return _pc(
        _amm1_body, (_R, _K), in_specs, out_specs,
        (jax.ShapeDtypeStruct((N, c), jnp.float32),
         jax.ShapeDtypeStruct((N, 1), jnp.float32)),
        scratch_shapes=[pltpu.VMEM((BR, c), jnp.float32),
                        pltpu.VMEM((BR, 1), jnp.float32)],
        dimension_semantics=("parallel", "arbitrary"),
    )(A, X, X, bias)


def _amm2_body(a_ref, xk_ref, xr_ref, b_ref, dinv_ref, out_ref, acc):
    k = pl.program_id(1)

    @pl.when(k == 0)
    def _():
        acc[...] = jnp.zeros_like(acc)

    acc[...] += _dot(a_ref[...], xk_ref[...].astype(jnp.bfloat16))

    @pl.when(k == _K - 1)
    def _():
        v = acc[...] + xr_ref[...]
        mean = v[:, : 2 * Z_DIM] * dinv_ref[...] + b_ref[:, : 2 * Z_DIM]
        std = _softplus(v[:, 2 * Z_DIM:] + b_ref[:, 2 * Z_DIM:])
        out_ref[...] = jnp.concatenate([mean, std], axis=1)


def _amm2(A, X, bias, dinv):
    c = 4 * Z_DIM
    in_specs, out_specs = _amm_specs(
        c, [_full(1, c), pl.BlockSpec((BR, 1), lambda r, k: (r, 0))], [])
    return _pc(
        _amm2_body, (_R, _K), in_specs, out_specs,
        (jax.ShapeDtypeStruct((N, c), jnp.float32),),
        scratch_shapes=[pltpu.VMEM((BR, c), jnp.float32)],
        dimension_semantics=("parallel", "arbitrary"),
    )(A, X, X, bias, dinv)[0]


def _amm3_body(a_ref, xk_ref, xr_ref, out_ref, acc):
    k = pl.program_id(1)

    @pl.when(k == 0)
    def _():
        acc[...] = jnp.zeros_like(acc)

    acc[...] += _dot(a_ref[...], xk_ref[...].astype(jnp.bfloat16))

    @pl.when(k == _K - 1)
    def _():
        v = acc[...] + xr_ref[...]
        out_ref[...] = 1.0 / (1.0 + jnp.exp(-v))


def _amm3(A, X):
    c = 2 * H_DIM
    in_specs, out_specs = _amm_specs(c, [], [])
    return _pc(
        _amm3_body, (_R, _K), in_specs, out_specs,
        (jax.ShapeDtypeStruct((N, c), jnp.float32),),
        scratch_shapes=[pltpu.VMEM((BR, c), jnp.float32)],
        dimension_semantics=("parallel", "arbitrary"),
    )(A, X, X)[0]


def _amm4_body(a_ref, xk_ref, xr_ref, zg_ref, h_ref, out_ref, acc):
    k = pl.program_id(1)

    @pl.when(k == 0)
    def _():
        acc[...] = jnp.zeros_like(acc)

    acc[...] += _dot(a_ref[...], xk_ref[...].astype(jnp.bfloat16))

    @pl.when(k == _K - 1)
    def _():
        th = jnp.tanh(acc[...] + xr_ref[...])
        zg = zg_ref[...]
        out_ref[...] = zg * h_ref[...] + (1.0 - zg) * th


def _amm4(A, X, zg, h):
    c = H_DIM
    in_specs, out_specs = _amm_specs(c, [_rows_rk(c), _rows_rk(c)], [])
    return _pc(
        _amm4_body, (_R, _K), in_specs, out_specs,
        (jax.ShapeDtypeStruct((N, c), jnp.float32),),
        scratch_shapes=[pltpu.VMEM((BR, c), jnp.float32)],
        dimension_semantics=("parallel", "arbitrary"),
    )(A, X, X, zg, h)[0]


def _rows_rk(c):
    return pl.BlockSpec((BR, c), lambda r, k: (r, 0))


BD = 1024
_RD = N // BD


def _dec_body(zs_ref, zd_ref, adj_ref, dec_ref, s1_ref, s2_ref, s3_ref):
    r = pl.program_id(1)
    c = pl.program_id(2)
    zs = zs_ref[0]
    zd = zd_ref[0]
    logits = lax.dot_general(zs, zd, (((1,), (1,)), ((), ())),
                             preferred_element_type=jnp.float32,
                             precision=_PREC)
    dec_ref[0] = logits
    tgt = adj_ref[0]
    s1 = jnp.sum(tgt * _softplus(-logits), axis=0, keepdims=True)
    s2 = jnp.sum((1.0 - tgt) * _softplus(logits), axis=0, keepdims=True)
    s3 = jnp.sum(tgt, axis=0, keepdims=True)

    @pl.when((r == 0) & (c == 0))
    def _():
        s1_ref[0] = jnp.zeros_like(s1)
        s2_ref[0] = jnp.zeros_like(s2)
        s3_ref[0] = jnp.zeros_like(s3)

    s1_ref[0] += s1
    s2_ref[0] += s2
    s3_ref[0] += s3


def _decoder(z_all, adj):
    acc = pl.BlockSpec((1, 1, BD), lambda t, r, c: (t, 0, 0))
    accs = jax.ShapeDtypeStruct((T, 1, BD), jnp.float32)
    return _pc(
        _dec_body, (T, _RD, _RD),
        [pl.BlockSpec((1, BD, Z_DIM), lambda t, r, c: (t, r, 0)),
         pl.BlockSpec((1, BD, Z_DIM), lambda t, r, c: (t, c, 0)),
         pl.BlockSpec((1, BD, BD), lambda t, r, c: (t, r, c))],
        [pl.BlockSpec((1, BD, BD), lambda t, r, c: (t, r, c)),
         acc, acc, acc],
        (jax.ShapeDtypeStruct((T, N, N), jnp.float32), accs, accs, accs),
        dimension_semantics=("arbitrary", "arbitrary", "arbitrary"),
    )(z_all[:, :, :Z_DIM], z_all[:, :, Z_DIM:], adj)


def _kld_body(enc_ref, pri_ref, out_ref):
    r = pl.program_id(0)
    m1 = enc_ref[:, : 2 * Z_DIM]
    s1 = enc_ref[:, 2 * Z_DIM:] + EPS
    m2 = pri_ref[:, : 2 * Z_DIM]
    s2 = pri_ref[:, 2 * Z_DIM:] + EPS
    e = (2.0 * jnp.log(s2) - 2.0 * jnp.log(s1)
         + (s1 * s1 + (m1 - m2) ** 2) / (s2 * s2) - 1.0)

    @pl.when(r == 0)
    def _():
        out_ref[...] = jnp.zeros_like(out_ref)

    out_ref[...] += jnp.sum(e, axis=0, keepdims=True)


def _kld(enc_all, pri_all):
    return _pc(
        _kld_body, (_R,),
        [_rows(4 * Z_DIM), _rows(4 * Z_DIM)],
        [pl.BlockSpec((1, 128), lambda r: (0, 0))],
        (jax.ShapeDtypeStruct((1, 128), jnp.float32),),
        dimension_semantics=("arbitrary",),
    )(enc_all, pri_all)[0]


def _build_adj(src, dst):
    return jnp.zeros((N, N), jnp.float32).at[dst, src].add(1.0)


def kernel(x, edge_idx_list, adj_orig_dense_list, phi_x_W, phi_z_W,
           gru_Wxz, gru_Whz, gru_Wxr, gru_Whr, gru_Wxh, gru_Whh,
           enc_src_W, enc_src_b, enc_src_mean_W, enc_src_mean_b,
           enc_src_std_W, enc_src_std_b,
           prior_src_W, prior_src_b, prior_src_mean_W, prior_src_mean_b,
           prior_src_std_W, prior_src_std_b,
           enc_dst_W, enc_dst_b, enc_dst_mean_W, enc_dst_mean_b,
           enc_dst_std_W, enc_dst_std_b,
           prior_dst_W, prior_dst_b, prior_dst_mean_W, prior_dst_mean_b,
           prior_dst_std_W, prior_dst_std_b):
    f32 = jnp.float32
    H2 = 2 * H_DIM

    w1 = jnp.concatenate([enc_src_W[:H_DIM], enc_dst_W[:H_DIM]], axis=1)
    w2 = jnp.concatenate([enc_src_W[H_DIM:], enc_dst_W[H_DIM:]], axis=1)
    b_s1 = jnp.concatenate([enc_src_b, enc_dst_b]).reshape(1, H2)

    wbd2 = jnp.zeros((H2, 4 * Z_DIM), f32)
    wbd2 = wbd2.at[:H_DIM, :Z_DIM].set(enc_src_mean_W)
    wbd2 = wbd2.at[H_DIM:, Z_DIM:2 * Z_DIM].set(enc_dst_mean_W)
    wbd2 = wbd2.at[:H_DIM, 2 * Z_DIM:3 * Z_DIM].set(enc_src_std_W)
    wbd2 = wbd2.at[H_DIM:, 3 * Z_DIM:].set(enc_dst_std_W)
    b_s2 = jnp.concatenate([enc_src_mean_b, enc_dst_mean_b,
                            enc_src_std_b, enc_dst_std_b]).reshape(1, 4 * Z_DIM)

    wp = jnp.concatenate([prior_src_W, prior_dst_W], axis=1)
    bp = jnp.concatenate([prior_src_b, prior_dst_b]).reshape(1, H2)
    wbd = jnp.zeros((H2, 4 * Z_DIM), f32)
    wbd = wbd.at[:H_DIM, :Z_DIM].set(prior_src_mean_W)
    wbd = wbd.at[H_DIM:, Z_DIM:2 * Z_DIM].set(prior_dst_mean_W)
    wbd = wbd.at[:H_DIM, 2 * Z_DIM:3 * Z_DIM].set(prior_src_std_W)
    wbd = wbd.at[H_DIM:, 3 * Z_DIM:].set(prior_dst_std_W)
    bbd = jnp.concatenate([prior_src_mean_b, prior_dst_mean_b,
                           prior_src_std_b, prior_dst_std_b]).reshape(1, 4 * Z_DIM)

    a1 = jnp.concatenate([gru_Wxz[:H_DIM], gru_Wxr[:H_DIM],
                          gru_Wxh[:H_DIM]], axis=1)
    a2 = jnp.concatenate([gru_Wxz[H_DIM:], gru_Wxr[H_DIM:],
                          gru_Wxh[H_DIM:]], axis=1)
    a3 = jnp.concatenate([gru_Whz, gru_Whr,
                          jnp.zeros((H_DIM, H_DIM), f32)], axis=1)

    base = jax.random.key(42)
    noises = []
    for t in range(T):
        kt = jax.random.fold_in(base, t)
        n1 = jax.random.normal(jax.random.fold_in(kt, 0), (N, Z_DIM), f32)
        n2 = jax.random.normal(jax.random.fold_in(kt, 1), (N, Z_DIM), f32)
        noises.append(jnp.concatenate([n1, n2], axis=1))

    h = jnp.zeros((N, H_DIM), f32)
    kld = jnp.float32(0.0)
    z_list = []
    kparts = []
    for t in range(T):
        A = _build_adj(edge_idx_list[t, 0],
                       edge_idx_list[t, 1]).astype(jnp.bfloat16)

        phi, Y = _fuse1(x[t], h, phi_x_W, w1, w2)
        pri_all = _pri(h, wp, bp, wbd, bbd)
        enc, deg = _amm1(A, Y, b_s1)
        dinv = lax.rsqrt(deg)
        X2 = _d4(enc, wbd2, dinv)
        enc_all = _amm2(A, X2, b_s2, dinv)
        z, phiz = _d5(enc_all, noises[t], phi_z_W)
        z_list.append(z)
        U = _d6(phi, phiz, h, a1, a2, a3)
        G = _amm3(A, U[:, :H2])
        zg = G[:, :H_DIM]
        rg = G[:, H_DIM:]
        cmat = _d7(rg, h, gru_Whh, U[:, H2:])
        h = _amm4(A, cmat, zg, h)
        kparts.append(_kld(enc_all, pri_all))

    z_all = jnp.stack(z_list)
    decs, s1a, s2a, s3a = _decoder(z_all, adj_orig_dense_list)

    nn = jnp.float32(N) * jnp.float32(N)
    nll = jnp.float32(0.0)
    for t in range(T):
        s1 = jnp.sum(s1a[t])
        s2 = jnp.sum(s2a[t])
        tsum = jnp.sum(s3a[t])
        posw = (nn - tsum) / tsum
        norm = nn / ((nn - tsum) * 2.0)
        nll = nll + norm * (posw * s1 + s2) / nn
        kld = kld + 0.5 * jnp.sum(kparts[t]) / nn

    return (kld, nll, decs)

# --- scband reference (transcript-rebuilt; emitter-appended) ---
"""Pipeline reference for scband-dyn-vae-47940424958514 (READ-ONLY COPY).

The authoritative reference and input builder live on the scoring server;
editing this copy changes nothing except your own understanding.
"""

import jax, jax.numpy as jnp
import numpy as np

T, N, E = 2, 4096, 131072
X_DIM, H_DIM, Z_DIM = 128, 256, 64
EPS = 1e-10


def _w(k, i, o):
    return jax.random.normal(k, (i, o), dtype=jnp.float32) * (1.0 / np.sqrt(i))


def _b(k, o):
    return jax.random.normal(k, (o,), dtype=jnp.float32) * 0.01


def setup_inputs(seed=0) -> dict:
    key = jax.random.key(seed)
    ks = jax.random.split(key, 64)
    inp = {}
    inp["x"] = jax.random.normal(ks[0], (T, N, X_DIM), dtype=jnp.float32)
    inp["edge_idx_list"] = jax.random.randint(ks[1], (T, 2, E), 0, N, dtype=jnp.int32)
    inp["adj_orig_dense_list"] = jax.random.uniform(ks[2], (T, N, N), dtype=jnp.float32)
    i = [3]
    def nw(i_, o_):
        v = _w(ks[i[0]], i_, o_); i[0] += 1
        return v
    def nb(o_):
        v = _b(ks[i[0]], o_); i[0] += 1
        return v
    inp["phi_x_W"] = nw(X_DIM, H_DIM)
    inp["phi_z_W"] = nw(2 * Z_DIM, H_DIM)
    inp["gru_Wxz"] = nw(2 * H_DIM, H_DIM)
    inp["gru_Whz"] = nw(H_DIM, H_DIM)
    inp["gru_Wxr"] = nw(2 * H_DIM, H_DIM)
    inp["gru_Whr"] = nw(H_DIM, H_DIM)
    inp["gru_Wxh"] = nw(2 * H_DIM, H_DIM)
    inp["gru_Whh"] = nw(H_DIM, H_DIM)
    for p in ("src", "dst"):
        inp["enc_%s_W" % p] = nw(2 * H_DIM, H_DIM)
        inp["enc_%s_b" % p] = nb(H_DIM)
        inp["enc_%s_mean_W" % p] = nw(H_DIM, Z_DIM)
        inp["enc_%s_mean_b" % p] = nb(Z_DIM)
        inp["enc_%s_std_W" % p] = nw(H_DIM, Z_DIM)
        inp["enc_%s_std_b" % p] = nb(Z_DIM)
        inp["prior_%s_W" % p] = nw(H_DIM, H_DIM)
        inp["prior_%s_b" % p] = nb(H_DIM)
        inp["prior_%s_mean_W" % p] = nw(H_DIM, Z_DIM)
        inp["prior_%s_mean_b" % p] = nb(Z_DIM)
        inp["prior_%s_std_W" % p] = nw(H_DIM, Z_DIM)
        inp["prior_%s_std_b" % p] = nb(Z_DIM)
    return inp


def _gin(xv, src, dst, Wv, bv=None, act=None):
    # GINConv with eps=0: nn(x + sum_{j in N(i)} x_j), messages aggregated at dst
    agg = jnp.zeros_like(xv).at[dst].add(xv[src])
    out = (xv + agg) @ Wv
    if bv is not None:
        out = out + bv
    if act is not None:
        out = act(out)
    return out


def _gcn(xv, src, dst, Wv, bv):
    # GCNConv: add self loops, symmetric normalization D^-1/2 (A+I) D^-1/2
    loop = jnp.arange(N, dtype=src.dtype)
    s = jnp.concatenate([src, loop])
    d = jnp.concatenate([dst, loop])
    deg = jnp.zeros((N,), dtype=xv.dtype).at[d].add(1.0)
    dinv = 1.0 / jnp.sqrt(deg)
    norm = dinv[s] * dinv[d]
    h = xv @ Wv
    out = jnp.zeros((N, Wv.shape[1]), dtype=xv.dtype).at[d].add(h[s] * norm[:, None])
    return out + bv


def _kld_gauss(m1, s1, m2, s2):
    num_nodes = m1.shape[0]
    e = (2.0 * jnp.log(s2 + EPS) - 2.0 * jnp.log(s1 + EPS)
         + ((s1 + EPS) ** 2 + (m1 - m2) ** 2) / (s2 + EPS) ** 2 - 1.0)
    return (0.5 / num_nodes) * jnp.mean(jnp.sum(e, axis=1))


def _nll_bernoulli(logits, target):
    n = target.shape[0]
    tsum = jnp.sum(target)
    posw = (n * n - tsum) / tsum
    norm = (n * n) / ((n * n - tsum) * 2.0)
    l = posw * target * jax.nn.softplus(-logits) + (1.0 - target) * jax.nn.softplus(logits)
    return norm * jnp.mean(l)


def _forward(fd, edge_idx_list):
    x = fd["x"]
    adj = fd["adj"]
    h = jnp.zeros((N, H_DIM), dtype=jnp.float32)  # n_layers = 1, h[-1] == h[0]
    kld = 0.0
    nll = 0.0
    decs = []
    base = jax.random.key(42)
    for t in range(T):
        ei = edge_idx_list[t]
        src, dst = ei[0], ei[1]
        phi_x_t = jax.nn.relu(x[t] @ fd["phi_x_W"])
        cat1 = jnp.concatenate([phi_x_t, h], axis=1)
        enc_src_t = _gin(cat1, src, dst, fd["enc_src_W"], fd["enc_src_b"], jax.nn.relu)
        enc_src_mean_t = _gcn(enc_src_t, src, dst, fd["enc_src_mean_W"], fd["enc_src_mean_b"])
        enc_src_std_t = _gin(enc_src_t, src, dst, fd["enc_src_std_W"], fd["enc_src_std_b"], jax.nn.softplus)
        enc_dst_t = _gin(cat1, src, dst, fd["enc_dst_W"], fd["enc_dst_b"], jax.nn.relu)
        enc_dst_mean_t = _gcn(enc_dst_t, src, dst, fd["enc_dst_mean_W"], fd["enc_dst_mean_b"])
        enc_dst_std_t = _gin(enc_dst_t, src, dst, fd["enc_dst_std_W"], fd["enc_dst_std_b"], jax.nn.softplus)
        prior_src_t = jax.nn.relu(h @ fd["prior_src_W"] + fd["prior_src_b"])
        prior_src_mean_t = prior_src_t @ fd["prior_src_mean_W"] + fd["prior_src_mean_b"]
        prior_src_std_t = jax.nn.softplus(prior_src_t @ fd["prior_src_std_W"] + fd["prior_src_std_b"])
        prior_dst_t = jax.nn.relu(h @ fd["prior_dst_W"] + fd["prior_dst_b"])
        prior_dst_mean_t = prior_dst_t @ fd["prior_dst_mean_W"] + fd["prior_dst_mean_b"]
        prior_dst_std_t = jax.nn.softplus(prior_dst_t @ fd["prior_dst_std_W"] + fd["prior_dst_std_b"])
        kt = jax.random.fold_in(base, t)
        n1 = jax.random.normal(jax.random.fold_in(kt, 0), enc_src_mean_t.shape, dtype=jnp.float32)
        n2 = jax.random.normal(jax.random.fold_in(kt, 1), enc_dst_mean_t.shape, dtype=jnp.float32)
        z_src = enc_src_mean_t + n1 * enc_src_std_t
        z_dst = enc_dst_mean_t + n2 * enc_dst_std_t
        phi_z_t = jax.nn.relu(jnp.concatenate([z_src, z_dst], axis=1) @ fd["phi_z_W"])
        dec_t = z_src @ z_dst.T  # InnerProductDecoder with identity act, dropout 0
        inp_g = jnp.concatenate([phi_x_t, phi_z_t], axis=1)
        z_g = jax.nn.sigmoid(_gin(inp_g, src, dst, fd["gru_Wxz"]) + _gin(h, src, dst, fd["gru_Whz"]))
        r_g = jax.nn.sigmoid(_gin(inp_g, src, dst, fd["gru_Wxr"]) + _gin(h, src, dst, fd["gru_Whr"]))
        h_tilde = jnp.tanh(_gin(inp_g, src, dst, fd["gru_Wxh"]) + _gin(r_g * h, src, dst, fd["gru_Whh"]))
        h = z_g * h + (1.0 - z_g) * h_tilde
        kld = kld + _kld_gauss(enc_src_mean_t, enc_src_std_t, prior_src_mean_t, prior_src_std_t) \
                  + _kld_gauss(enc_dst_mean_t, enc_dst_std_t, prior_dst_mean_t, prior_dst_std_t)
        nll = nll + _nll_bernoulli(dec_t, adj[t])
        decs.append(dec_t)
    return kld, nll, jnp.stack(decs)


def reference(x, edge_idx_list, adj_orig_dense_list, phi_x_W, phi_z_W,
              gru_Wxz, gru_Whz, gru_Wxr, gru_Whr, gru_Wxh, gru_Whh,
              enc_src_W, enc_src_b, enc_src_mean_W, enc_src_mean_b,
              enc_src_std_W, enc_src_std_b,
              prior_src_W, prior_src_b, prior_src_mean_W, prior_src_mean_b,
              prior_src_std_W, prior_src_std_b,
              enc_dst_W, enc_dst_b, enc_dst_mean_W, enc_dst_mean_b,
              enc_dst_std_W, enc_dst_std_b,
              prior_dst_W, prior_dst_b, prior_dst_mean_W, prior_dst_mean_b,
              prior_dst_std_W, prior_dst_std_b):
    fd = {
        "x": x,
        "adj": adj_orig_dense_list,
        "phi_x_W": phi_x_W,
        "phi_z_W": phi_z_W,
        "gru_Wxz": gru_Wxz,
        "gru_Whz": gru_Whz,
        "gru_Wxr": gru_Wxr,
        "gru_Whr": gru_Whr,
        "gru_Wxh": gru_Wxh,
        "gru_Whh": gru_Whh,
        "enc_src_W": enc_src_W,
        "enc_src_b": enc_src_b,
        "enc_src_mean_W": enc_src_mean_W,
        "enc_src_mean_b": enc_src_mean_b,
        "enc_src_std_W": enc_src_std_W,
        "enc_src_std_b": enc_src_std_b,
        "prior_src_W": prior_src_W,
        "prior_src_b": prior_src_b,
        "prior_src_mean_W": prior_src_mean_W,
        "prior_src_mean_b": prior_src_mean_b,
        "prior_src_std_W": prior_src_std_W,
        "prior_src_std_b": prior_src_std_b,
        "enc_dst_W": enc_dst_W,
        "enc_dst_b": enc_dst_b,
        "enc_dst_mean_W": enc_dst_mean_W,
        "enc_dst_mean_b": enc_dst_mean_b,
        "enc_dst_std_W": enc_dst_std_W,
        "enc_dst_std_b": enc_dst_std_b,
        "prior_dst_W": prior_dst_W,
        "prior_dst_b": prior_dst_b,
        "prior_dst_mean_W": prior_dst_mean_W,
        "prior_dst_mean_b": prior_dst_mean_b,
        "prior_dst_std_W": prior_dst_std_W,
        "prior_dst_std_b": prior_dst_std_b,
    }
    kld, nll, decs = _forward(fd, edge_idx_list)
    return (kld, nll, decs)

if __name__ == "__main__":
    import jax
    _d = setup_inputs()
    print(jax.jit(kernel)(*tuple(_d.values())))

</pallas_src>

<mosaic_0001>
module attributes {stable_mosaic.version = 14 : i64} {
  func.func @_fuse1_body(%arg0: i32, %arg1: memref<1024x128xf32, #tpu.memory_space<vmem>>, %arg2: memref<1024x256xf32, #tpu.memory_space<vmem>>, %arg3: memref<128x256xf32, #tpu.memory_space<vmem>>, %arg4: memref<256x512xf32, #tpu.memory_space<vmem>>, %arg5: memref<256x512xf32, #tpu.memory_space<vmem>>, %arg6: memref<1024x256xf32, #tpu.memory_space<vmem>>, %arg7: memref<1024x512xf32, #tpu.memory_space<vmem>>) attributes {dimension_semantics = [#tpu.dimension_semantics<arbitrary>], iteration_bounds = array<i64: 4>, scalar_prefetch = 0 : i64, scratch_operands = 0 : i64, tpu.core_type = #tpu.core_type<tc>, window_params = [{transform_indices = @transform_0, window_bounds = array<i64: 1024, 128>}, {transform_indices = @transform_1, window_bounds = array<i64: 1024, 256>}, {pipeline_mode = #tpu.pipeline_mode<synchronous>, transform_indices = @transform_2, window_bounds = array<i64: 128, 256>}, {pipeline_mode = #tpu.pipeline_mode<synchronous>, transform_indices = @transform_3, window_bounds = array<i64: 256, 512>}, {pipeline_mode = #tpu.pipeline_mode<synchronous>, transform_indices = @transform_4, window_bounds = array<i64: 256, 512>}, {transform_indices = @transform_5, window_bounds = array<i64: 1024, 256>}, {transform_indices = @transform_6, window_bounds = array<i64: 1024, 512>}]} {
    %get3A = arith.constant 0 : index
    %get3A_0 = arith.constant 0 : index
    %get3A_1 = vector.load %arg1[%get3A, %get3A_0] : memref<1024x128xf32, #tpu.memory_space<vmem>>, vector<1024x128xf32>
    %get3A_2 = arith.constant 0 : index
    %get3A_3 = arith.constant 0 : index
    %get3A_4 = vector.load %arg3[%get3A_2, %get3A_3] : memref<128x256xf32, #tpu.memory_space<vmem>>, vector<128x256xf32>
    %dot_general3A = arith.constant dense<0.000000e+00> : vector<1024x256xf32>
    %dot_general3A_5 = tpu.matmul %get3A_1, %get3A_4, %dot_general3A {dimension_numbers = #tpu.dot_dimension_numbers<[1], [0], [0], [1], [0, 0, 1, 1], [], []>, transpose_lhs_hint = false} : vector<1024x128xf32>, vector<128x256xf32>, vector<1024x256xf32> -> vector<1024x256xf32>
    %max3A = arith.constant 0.000000e+00 : f32
    %max3A_6 = vector.broadcast %max3A : f32 to vector<1024x256xf32>
    %max3A_7 = arith.maximumf %dot_general3A_5, %max3A_6 : vector<1024x256xf32>
    %swap3A = arith.constant 0 : index
    %swap3A_8 = arith.constant 0 : index
    %swap3A_9 = vector.load %arg6[%swap3A, %swap3A_8] : memref<1024x256xf32, #tpu.memory_space<vmem>>, vector<1024x256xf32>
    tpu.vector_store %arg6[%swap3A, %swap3A_8], %max3A_7 {strides = array<i32>} : memref<1024x256xf32, #tpu.memory_space<vmem>>, vector<1024x256xf32>,
    %get3A_10 = arith.constant 0 : index
    %get3A_11 = arith.constant 0 : index
    %get3A_12 = vector.load %arg4[%get3A_10, %get3A_11] : memref<256x512xf32, #tpu.memory_space<vmem>>, vector<256x512xf32>
    %dot_general3A_13 = arith.constant dense<0.000000e+00> : vector<1024x512xf32>
    %dot_general3A_14 = tpu.matmul %max3A_7, %get3A_12, %dot_general3A_13 {dimension_numbers = #tpu.dot_dimension_numbers<[1], [0], [0], [1], [0, 0, 1, 1], [], []>, transpose_lhs_hint = false} : vector<1024x256xf32>, vector<256x512xf32>, vector<1024x512xf32> -> vector<1024x512xf32>
    %get3A_15 = arith.constant 0 : index
    %get3A_16 = arith.constant 0 : index
    %get3A_17 = vector.load %arg2[%get3A_15, %get3A_16] : memref<1024x256xf32, #tpu.memory_space<vmem>>, vector<1024x256xf32>
    %get3A_18 = arith.constant 0 : index
    %get3A_19 = arith.constant 0 : index
    %get3A_20 = vector.load %arg5[%get3A_18, %get3A_19] : memref<256x512xf32, #tpu.memory_space<vmem>>, vector<256x512xf32>
    %dot_general3A_21 = arith.constant dense<0.000000e+00> : vector<1024x512xf32>
    %dot_general3A_22 = tpu.matmul %get3A_17, %get3A_20, %dot_general3A_21 {dimension_numbers = #tpu.dot_dimension_numbers<[1], [0], [0], [1], [0, 0, 1, 1], [], []>, transpose_lhs_hint = false} : vector<1024x256xf32>, vector<256x512xf32>, vector<1024x512xf32> -> vector<1024x512xf32>
    %add3A = arith.addf %dot_general3A_14, %dot_general3A_22 : vector<1024x512xf32>
    %swap3A_23 = arith.constant 0 : index
    %swap3A_24 = arith.constant 0 : index
    %swap3A_25 = vector.load %arg7[%swap3A_23, %swap3A_24] : memref<1024x512xf32, #tpu.memory_space<vmem>>, vector<1024x512xf32>
    tpu.vector_store %arg7[%swap3A_23, %swap3A_24], %add3A {strides = array<i32>} : memref<1024x512xf32, #tpu.memory_space<vmem>>, vector<1024x512xf32>,
    return
  }
  func.func @transform_0(%arg0: i32) -> (i32, i32) {
    %c0_i32 = arith.constant 0 : i32
    %c0_i32_0 = arith.constant 0 : i32
    return %arg0, %c0_i32 : i32, i32
  }
  func.func @transform_1(%arg0: i32) -> (i32, i32) {
    %c0_i32 = arith.constant 0 : i32
    %c0_i32_0 = arith.constant 0 : i32
    return %arg0, %c0_i32 : i32, i32
  }
  func.func @transform_2(%arg0: i32) -> (i32, i32) {
    %c0_i32 = arith.constant 0 : i32
    %c0_i32_0 = arith.constant 0 : i32
    %c0_i32_1 = arith.constant 0 : i32
    return %c0_i32, %c0_i32_0 : i32, i32
  }
  func.func @transform_3(%arg0: i32) -> (i32, i32) {
    %c0_i32 = arith.constant 0 : i32
    %c0_i32_0 = arith.constant 0 : i32
    %c0_i32_1 = arith.constant 0 : i32
    return %c0_i32, %c0_i32_0 : i32, i32
  }
  func.func @transform_4(%arg0: i32) -> (i32, i32) {
    %c0_i32 = arith.constant 0 : i32
    %c0_i32_0 = arith.constant 0 : i32
    %c0_i32_1 = arith.constant 0 : i32
    return %c0_i32, %c0_i32_0 : i32, i32
  }
  func.func @transform_5(%arg0: i32) -> (i32, i32) {
    %c0_i32 = arith.constant 0 : i32
    %c0_i32_0 = arith.constant 0 : i32
    return %arg0, %c0_i32 : i32, i32
  }
  func.func @transform_6(%arg0: i32) -> (i32, i32) {
    %c0_i32 = arith.constant 0 : i32
    %c0_i32_0 = arith.constant 0 : i32
    return %arg0, %c0_i32 : i32, i32
  }
}

module attributes {stable_mosaic.version = 14 : i64} {
  func.func @_pri_body(%arg0: i32, %arg1: memref<1024x256xf32, #tpu.memory_space<vmem>>, %arg2: memref<256x512xf32, #tpu.memory_space<vmem>>, %arg3: memref<1x512xf32, #tpu.memory_space<vmem>>, %arg4: memref<512x256xf32, #tpu.memory_space<vmem>>, %arg5: memref<1x256xf32, #tpu.memory_space<vmem>>, %arg6: memref<1024x256xf32, #tpu.memory_space<vmem>>) attributes {dimension_semantics = [#tpu.dimension_semantics<arbitrary>], iteration_bounds = array<i64: 4>, scalar_prefetch = 0 : i64, scratch_operands = 0 : i64, tpu.core_type = #tpu.core_type<tc>, window_params = [{transform_indices = @transform_0, window_bounds = array<i64: 1024, 256>}, {pipeline_mode = #tpu.pipeline_mode<synchronous>, transform_indices = @transform_1, window_bounds = array<i64: 256, 512>}, {pipeline_mode = #tpu.pipeline_mode<synchronous>, transform_indices = @transform_2, window_bounds = array<i64: 1, 512>}, {pipeline_mode = #tpu.pipeline_mode<synchronous>, transform_indices = @transform_3, window_bounds = array<i64: 512, 256>}, {pipeline_mode = #tpu.pipeline_mode<synchronous>, transform_indices = @transform_4, window_bounds = array<i64: 1, 256>}, {transform_indices = @transform_5, window_bounds = array<i64: 1024, 256>}]} {
    %get3A = arith.constant 0 : index
    %get3A_0 = arith.constant 0 : index
    %get3A_1 = vector.load %arg1[%get3A, %get3A_0] : memref<1024x256xf32, #tpu.memory_space<vmem>>, vector<1024x256xf32>
    %get3A_2 = arith.constant 0 : index
    %get3A_3 = arith.constant 0 : index
    %get3A_4 = vector.load %arg2[%get3A_2, %get3A_3] : memref<256x512xf32, #tpu.memory_space<vmem>>, vector<256x512xf32>
    %dot_general3A = arith.constant dense<0.000000e+00> : vector<1024x512xf32>
    %dot_general3A_5 = tpu.matmul %get3A_1, %get3A_4, %dot_general3A {dimension_numbers = #tpu.dot_dimension_numbers<[1], [0], [0], [1], [0, 0, 1, 1], [], []>, transpose_lhs_hint = false} : vector<1024x256xf32>, vector<256x512xf32>, vector<1024x512xf32> -> vector<1024x512xf32>
    %get3A_6 = arith.constant 0 : index
    %get3A_7 = arith.constant 0 : index
    %get3A_8 = vector.load %arg3[%get3A_6, %get3A_7] : memref<1x512xf32, #tpu.memory_space<vmem>>, vector<1x512xf32>
    %add3A = vector.broadcast %get3A_8 : vector<1x512xf32> to vector<1024x512xf32>
    %add3A_9 = arith.addf %dot_general3A_5, %add3A : vector<1024x512xf32>
    %max3A = arith.constant 0.000000e+00 : f32
    %max3A_10 = vector.broadcast %max3A : f32 to vector<1024x512xf32>
    %max3A_11 = arith.maximumf %add3A_9, %max3A_10 : vector<1024x512xf32>
    %get3A_12 = arith.constant 0 : index
    %get3A_13 = arith.constant 0 : index
    %get3A_14 = vector.load %arg4[%get3A_12, %get3A_13] : memref<512x256xf32, #tpu.memory_space<vmem>>, vector<512x256xf32>
    %dot_general3A_15 = arith.constant dense<0.000000e+00> : vector<1024x256xf32>
    %dot_general3A_16 = tpu.matmul %max3A_11, %get3A_14, %dot_general3A_15 {dimension_numbers = #tpu.dot_dimension_numbers<[1], [0], [0], [1], [0, 0, 1, 1], [], []>, transpose_lhs_hint = false} : vector<1024x512xf32>, vector<512x256xf32>, vector<1024x256xf32> -> vector<1024x256xf32>
    %get3A_17 = arith.constant 0 : index
    %get3A_18 = arith.constant 0 : index
    %get3A_19 = vector.load %arg5[%get3A_17, %get3A_18] : memref<1x256xf32, #tpu.memory_space<vmem>>, vector<1x256xf32>
    %add3A_20 = vector.broadcast %get3A_19 : vector<1x256xf32> to vector<1024x256xf32>
    %add3A_21 = arith.addf %dot_general3A_16, %add3A_20 : vector<1024x256xf32>
    %slice3A = vector.extract_strided_slice %add3A_21 {offsets = [0, 0], sizes = [1024, 128], strides = [1, 1]} : vector<1024x256xf32> to vector<1024x128xf32>
    %slice3A_22 = vector.extract_strided_slice %add3A_21 {offsets = [0, 128], sizes = [1024, 128], strides = [1, 1]} : vector<1024x256xf32> to vector<1024x128xf32>
    %max3A_23 = arith.constant 0.000000e+00 : f32
    %max3A_24 = vector.broadcast %max3A_23 : f32 to vector<1024x128xf32>
    %max3A_25 = arith.maximumf %slice3A_22, %max3A_24 : vector<1024x128xf32>
    %abs3A = math.absf %slice3A_22 : vector<1024x128xf32>
    %neg3A = arith.constant 0.000000e+00 : f32
    %neg3A_26 = vector.broadcast %neg3A : f32 to vector<1024x128xf32>
    %neg3A_27 = arith.subf %neg3A_26, %abs3A : vector<1024x128xf32>
    %exp3A = math.exp %neg3A_27 : vector<1024x128xf32>
    %log1p3A = math.log1p %exp3A : vector<1024x128xf32>
    %add3A_28 = arith.addf %max3A_25, %log1p3A : vector<1024x128xf32>
    %concatenate3A = tpu.concatenate %slice3A, %add3A_28 in 1 : vector<1024x128xf32>, vector<1024x128xf32> -> vector<1024x256xf32>
    %swap3A = arith.constant 0 : index
    %swap3A_29 = arith.constant 0 : index
    %swap3A_30 = vector.load %arg6[%swap3A, %swap3A_29] : memref<1024x256xf32, #tpu.memory_space<vmem>>, vector<1024x256xf32>
    tpu.vector_store %arg6[%swap3A, %swap3A_29], %concatenate3A {strides = array<i32>} : memref<1024x256xf32, #tpu.memory_space<vmem>>, vector<1024x256xf32>,
    return
  }
  func.func @transform_0(%arg0: i32) -> (i32, i32) {
    %c0_i32 = arith.constant 0 : i32
    %c0_i32_0 = arith.constant 0 : i32
    return %arg0, %c0_i32 : i32, i32
  }
  func.func @transform_1(%arg0: i32) -> (i32, i32) {
    %c0_i32 = arith.constant 0 : i32
    %c0_i32_0 = arith.constant 0 : i32
    %c0_i32_1 = arith.constant 0 : i32
    return %c0_i32, %c0_i32_0 : i32, i32
  }
  func.func @transform_2(%arg0: i32) -> (i32, i32) {
    %c0_i32 = arith.constant 0 : i32
    %c0_i32_0 = arith.constant 0 : i32
    %c0_i32_1 = arith.constant 0 : i32
    return %c0_i32, %c0_i32_0 : i32, i32
  }
  func.func @transform_3(%arg0: i32) -> (i32, i32) {
    %c0_i32 = arith.constant 0 : i32
    %c0_i32_0 = arith.constant 0 : i32
    %c0_i32_1 = arith.constant 0 : i32
    return %c0_i32, %c0_i32_0 : i32, i32
  }
  func.func @transform_4(%arg0: i32) -> (i32, i32) {
    %c0_i32 = arith.constant 0 : i32
    %c0_i32_0 = arith.constant 0 : i32
    %c0_i32_1 = arith.constant 0 : i32
    return %c0_i32, %c0_i32_0 : i32, i32
  }
  func.func @transform_5(%arg0: i32) -> (i32, i32) {
    %c0_i32 = arith.constant 0 : i32
    %c0_i32_0 = arith.constant 0 : i32
    return %arg0, %c0_i32 : i32, i32
  }
}

module attributes {stable_mosaic.version = 14 : i64} {
  func.func @_amm1_body(%arg0: i32, %arg1: i32, %arg2: memref<1024x1024xbf16, #tpu.memory_space<vmem>>, %arg3: memref<1024x512xf32, #tpu.memory_space<vmem>>, %arg4: memref<1024x512xf32, #tpu.memory_space<vmem>>, %arg5: memref<1x512xf32, #tpu.memory_space<vmem>>, %arg6: memref<1024x512xf32, #tpu.memory_space<vmem>>, %arg7: memref<1024x1xf32, #tpu.memory_space<vmem>>, %arg8: memref<1024x512xf32, #tpu.memory_space<vmem>>, %arg9: memref<1024x1xf32, #tpu.memory_space<vmem>>) attributes {dimension_semantics = [#tpu.dimension_semantics<parallel>, #tpu.dimension_semantics<arbitrary>], iteration_bounds = array<i64: 4, 4>, scalar_prefetch = 0 : i64, scratch_operands = 2 : i64, tpu.core_type = #tpu.core_type<tc>, window_params = [{transform_indices = @transform_0, window_bounds = array<i64: 1024, 1024>}, {transform_indices = @transform_1, window_bounds = array<i64: 1024, 512>}, {transform_indices = @transform_2, window_bounds = array<i64: 1024, 512>}, {pipeline_mode = #tpu.pipeline_mode<synchronous>, transform_indices = @transform_3, window_bounds = array<i64: 1, 512>}, {transform_indices = @transform_4, window_bounds = array<i64: 1024, 512>}, {transform_indices = @transform_5, window_bounds = array<i64: 1024, 1>}]} {
    %eq3A = arith.constant 0 : i32
    %eq3A_0 = arith.cmpi eq, %arg1, %eq3A : i32
    %convert_element_type3A = arith.extui %eq3A_0 : i1 to i32
    %cond3A = arith.constant 0 : i32
    %cond3A_1 = arith.cmpi ne, %convert_element_type3A, %cond3A : i32
    scf.if %cond3A_1 {
      %broadcast_in_dim3A_28 = arith.constant 0.000000e+00 : f32
      %broadcast_in_dim3A_29 = vector.broadcast %broadcast_in_dim3A_28 : f32 to vector<1024x512xf32>
      %swap3A_30 = arith.constant 0 : index
      %swap3A_31 = arith.constant 0 : index
      %swap3A_32 = vector.load %arg8[%swap3A_30, %swap3A_31] : memref<1024x512xf32, #tpu.memory_space<vmem>>, vector<1024x512xf32>
      tpu.vector_store %arg8[%swap3A_30, %swap3A_31], %broadcast_in_dim3A_29 {strides = array<i32>} : memref<1024x512xf32, #tpu.memory_space<vmem>>, vector<1024x512xf32>,
      %broadcast_in_dim3A_33 = arith.constant 0.000000e+00 : f32
      %broadcast_in_dim3A_34 = vector.broadcast %broadcast_in_dim3A_33 : f32 to vector<1024x1xf32>
      %swap3A_35 = arith.constant 0 : index
      %swap3A_36 = arith.constant 0 : index
      %swap3A_37 = vector.load %arg9[%swap3A_35, %swap3A_36] : memref<1024x1xf32, #tpu.memory_space<vmem>>, vector<1024x1xf32>
      tpu.vector_store %arg9[%swap3A_35, %swap3A_36], %broadcast_in_dim3A_34 {strides = array<i32>} : memref<1024x1xf32, #tpu.memory_space<vmem>>, vector<1024x1xf32>,
    } else {
    }
    %get3A = arith.constant 0 : index
    %get3A_2 = arith.constant 0 : index
    %get3A_3 = vector.load %arg2[%get3A, %get3A_2] : memref<1024x1024xbf16, #tpu.memory_space<vmem>>, vector<1024x1024xbf16>
    %get3A_4 = arith.constant 0 : index
    %get3A_5 = arith.constant 0 : index
    %get3A_6 = vector.load %arg8[%get3A_4, %get3A_5] : memref<1024x512xf32, #tpu.memory_space<vmem>>, vector<1024x512xf32>
    %get3A_7 = arith.constant 0 : index
    %get3A_8 = arith.constant 0 : index
    %get3A_9 = vector.load %arg3[%get3A_7, %get3A_8] : memref<1024x512xf32, #tpu.memory_space<vmem>>, vector<1024x512xf32>
    %convert_element_type3A_10 = arith.truncf %get3A_9 : vector<1024x512xf32> to vector<1024x512xbf16>
    %dot_general3A = arith.constant dense<0.000000e+00> : vector<1024x512xf32>
    %dot_general3A_11 = tpu.matmul %get3A_3, %convert_element_type3A_10, %dot_general3A {dimension_numbers = #tpu.dot_dimension_numbers<[1], [0], [0], [1], [0, 0, 1, 1], [], []>, transpose_lhs_hint = false} : vector<1024x1024xbf16>, vector<1024x512xbf16>, vector<1024x512xf32> -> vector<1024x512xf32>
    %add3A = arith.addf %get3A_6, %dot_general3A_11 : vector<1024x512xf32>
    %swap3A = arith.constant 0 : index
    %swap3A_12 = arith.constant 0 : index
    %swap3A_13 = vector.load %arg8[%swap3A, %swap3A_12] : memref<1024x512xf32, #tpu.memory_space<vmem>>, vector<1024x512xf32>
    tpu.vector_store %arg8[%swap3A, %swap3A_12], %add3A {strides = array<i32>} : memref<1024x512xf32, #tpu.memory_space<vmem>>, vector<1024x512xf32>,
    %get3A_14 = arith.constant 0 : index
    %get3A_15 = arith.constant 0 : index
    %get3A_16 = vector.load %arg9[%get3A_14, %get3A_15] : memref<1024x1xf32, #tpu.memory_space<vmem>>, vector<1024x1xf32>
    %convert_element_type3A_17 = arith.extf %get3A_3 : vector<1024x1024xbf16> to vector<1024x1024xf32>
    %reduce_sum3A = arith.constant dense<0.000000e+00> : vector<1024xf32>
    %reduce_sum3A_18 = vector.multi_reduction <add>, %convert_element_type3A_17, %reduce_sum3A [1] : vector<1024x1024xf32> to vector<1024xf32>
    %broadcast_in_dim3A = vector.shape_cast %reduce_sum3A_18 : vector<1024xf32> to vector<1024x1xf32>
    %add3A_19 = arith.addf %get3A_16, %broadcast_in_dim3A : vector<1024x1xf32>
    %swap3A_20 = arith.constant 0 : index
    %swap3A_21 = arith.constant 0 : index
    %swap3A_22 = vector.load %arg9[%swap3A_20, %swap3A_21] : memref<1024x1xf32, #tpu.memory_space<vmem>>, vector<1024x1xf32>
    tpu.vector_store %arg9[%swap3A_20, %swap3A_21], %add3A_19 {strides = array<i32>} : memref<1024x1xf32, #tpu.memory_space<vmem>>, vector<1024x1xf32>,
    %eq3A_23 = arith.constant 3 : i32
    %eq3A_24 = arith.cmpi eq, %arg1, %eq3A_23 : i32
    %convert_element_type3A_25 = arith.extui %eq3A_24 : i1 to i32
    %cond3A_26 = arith.constant 0 : i32
    %cond3A_27 = arith.cmpi ne, %convert_element_type3A_25, %cond3A_26 : i32
    scf.if %cond3A_27 {
      %get3A_28 = arith.constant 0 : index
      %get3A_29 = arith.constant 0 : index
      %get3A_30 = vector.load %arg8[%get3A_28, %get3A_29] : memref<1024x512xf32, #tpu.memory_space<vmem>>, vector<1024x512xf32>
      %get3A_31 = arith.constant 0 : index
      %get3A_32 = arith.constant 0 : index
      %get3A_33 = vector.load %arg4[%get3A_31, %get3A_32] : memref<1024x512xf32, #tpu.memory_space<vmem>>, vector<1024x512xf32>
      %add3A_34 = arith.addf %get3A_30, %get3A_33 : vector<1024x512xf32>
      %get3A_35 = arith.constant 0 : index
      %get3A_36 = arith.constant 0 : index
      %get3A_37 = vector.load %arg5[%get3A_35, %get3A_36] : memref<1x512xf32, #tpu.memory_space<vmem>>, vector<1x512xf32>
      %add3A_38 = vector.broadcast %get3A_37 : vector<1x512xf32> to vector<1024x512xf32>
      %add3A_39 = arith.addf %add3A_34, %add3A_38 : vector<1024x512xf32>
      %max3A = arith.constant 0.000000e+00 : f32
      %max3A_40 = vector.broadcast %max3A : f32 to vector<1024x512xf32>
      %max3A_41 = arith.maximumf %add3A_39, %max3A_40 : vector<1024x512xf32>
      %swap3A_42 = arith.constant 0 : index
      %swap3A_43 = arith.constant 0 : index
      %swap3A_44 = vector.load %arg6[%swap3A_42, %swap3A_43] : memref<1024x512xf32, #tpu.memory_space<vmem>>, vector<1024x512xf32>
      tpu.vector_store %arg6[%swap3A_42, %swap3A_43], %max3A_41 {strides = array<i32>} : memref<1024x512xf32, #tpu.memory_space<vmem>>, vector<1024x512xf32>,
      %get3A_45 = arith.constant 0 : index
      %get3A_46 = arith.constant 0 : index
      %get3A_47 = vector.load %arg9[%get3A_45, %get3A_46] : memref<1024x1xf32, #tpu.memory_space<vmem>>, vector<1024x1xf32>
      %add3A_48 = arith.constant 1.000000e+00 : f32
      %add3A_49 = vector.broadcast %add3A_48 : f32 to vector<1024x1xf32>
      %add3A_50 = arith.addf %get3A_47, %add3A_49 : vector<1024x1xf32>
      %swap3A_51 = arith.constant 0 : index
      %swap3A_52 = arith.constant 0 : index
      %swap3A_53 = vector.load %arg7[%swap3A_51, %swap3A_52] : memref<1024x1xf32, #tpu.memory_space<vmem>>, vector<1024x1xf32>
      tpu.vector_store %arg7[%swap3A_51, %swap3A_52], %add3A_50 {strides = array<i32>} : memref<1024x1xf32, #tpu.memory_space<vmem>>, vector<1024x1xf32>,
    } else {
    }
    return
  }
  func.func @transform_0(%arg0: i32, %arg1: i32) -> (i32, i32) {
    %c0_i32 = arith.constant 0 : i32
    return %arg0, %arg1 : i32, i32
  }
  func.func @transform_1(%arg0: i32, %arg1: i32) -> (i32, i32) {
    %c0_i32 = arith.constant 0 : i32
    %c0_i32_0 = arith.constant 0 : i32
    return %arg1, %c0_i32 : i32, i32
  }
  func.func @transform_2(%arg0: i32, %arg1: i32) -> (i32, i32) {
    %c0_i32 = arith.constant 0 : i32
    %c0_i32_0 = arith.constant 0 : i32
    return %arg0, %c0_i32 : i32, i32
  }
  func.func @transform_3(%arg0: i32, %arg1: i32) -> (i32, i32) {
    %c0_i32 = arith.constant 0 : i32
    %c0_i32_0 = arith.constant 0 : i32
    %c0_i32_1 = arith.constant 0 : i32
    return %c0_i32, %c0_i32_0 : i32, i32
  }
  func.func @transform_4(%arg0: i32, %arg1: i32) -> (i32, i32) {
    %c0_i32 = arith.constant 0 : i32
    %c0_i32_0 = arith.constant 0 : i32
    return %arg0, %c0_i32 : i32, i32
  }
  func.func @transform_5(%arg0: i32, %arg1: i32) -> (i32, i32) {
    %c0_i32 = arith.constant 0 : i32
    %c0_i32_0 = arith.constant 0 : i32
    return %arg0, %c0_i32 : i32, i32
  }
}

module attributes {stable_mosaic.version = 14 : i64} {
  func.func @_d4_body(%arg0: i32, %arg1: memref<1024x512xf32, #tpu.memory_space<vmem>>, %arg2: memref<512x256xf32, #tpu.memory_space<vmem>>, %arg3: memref<1024x1xf32, #tpu.memory_space<vmem>>, %arg4: memref<1024x256xf32, #tpu.memory_space<vmem>>) attributes {dimension_semantics = [#tpu.dimension_semantics<arbitrary>], iteration_bounds = array<i64: 4>, scalar_prefetch = 0 : i64, scratch_operands = 0 : i64, tpu.core_type = #tpu.core_type<tc>, window_params = [{transform_indices = @transform_0, window_bounds = array<i64: 1024, 512>}, {pipeline_mode = #tpu.pipeline_mode<synchronous>, transform_indices = @transform_1, window_bounds = array<i64: 512, 256>}, {transform_indices = @transform_2, window_bounds = array<i64: 1024, 1>}, {transform_indices = @transform_3, window_bounds = array<i64: 1024, 256>}]} {
    %get3A = arith.constant 0 : index
    %get3A_0 = arith.constant 0 : index
    %get3A_1 = vector.load %arg1[%get3A, %get3A_0] : memref<1024x512xf32, #tpu.memory_space<vmem>>, vector<1024x512xf32>
    %get3A_2 = arith.constant 0 : index
    %get3A_3 = arith.constant 0 : index
    %get3A_4 = vector.load %arg2[%get3A_2, %get3A_3] : memref<512x256xf32, #tpu.memory_space<vmem>>, vector<512x256xf32>
    %dot_general3A = arith.constant dense<0.000000e+00> : vector<1024x256xf32>
    %dot_general3A_5 = tpu.matmul %get3A_1, %get3A_4, %dot_general3A {dimension_numbers = #tpu.dot_dimension_numbers<[1], [0], [0], [1], [0, 0, 1, 1], [], []>, transpose_lhs_hint = false} : vector<1024x512xf32>, vector<512x256xf32>, vector<1024x256xf32> -> vector<1024x256xf32>
    %slice3A = vector.extract_strided_slice %dot_general3A_5 {offsets = [0, 0], sizes = [1024, 128], strides = [1, 1]} : vector<1024x256xf32> to vector<1024x128xf32>
    %get3A_6 = arith.constant 0 : index
    %get3A_7 = arith.constant 0 : index
    %get3A_8 = vector.load %arg3[%get3A_6, %get3A_7] : memref<1024x1xf32, #tpu.memory_space<vmem>>, vector<1024x1xf32>
    %mul3A = vector.broadcast %get3A_8 : vector<1024x1xf32> to vector<1024x128xf32>
    %mul3A_9 = arith.mulf %slice3A, %mul3A : vector<1024x128xf32>
    %slice3A_10 = vector.extract_strided_slice %dot_general3A_5 {offsets = [0, 128], sizes = [1024, 128], strides = [1, 1]} : vector<1024x256xf32> to vector<1024x128xf32>
    %concatenate3A = tpu.concatenate %mul3A_9, %slice3A_10 in 1 : vector<1024x128xf32>, vector<1024x128xf32> -> vector<1024x256xf32>
    %swap3A = arith.constant 0 : index
    %swap3A_11 = arith.constant 0 : index
    %swap3A_12 = vector.load %arg4[%swap3A, %swap3A_11] : memref<1024x256xf32, #tpu.memory_space<vmem>>, vector<1024x256xf32>
    tpu.vector_store %arg4[%swap3A, %swap3A_11], %concatenate3A {strides = array<i32>} : memref<1024x256xf32, #tpu.memory_space<vmem>>, vector<1024x256xf32>,
    return
  }
  func.func @transform_0(%arg0: i32) -> (i32, i32) {
    %c0_i32 = arith.constant 0 : i32
    %c0_i32_0 = arith.constant 0 : i32
    return %arg0, %c0_i32 : i32, i32
  }
  func.func @transform_1(%arg0: i32) -> (i32, i32) {
    %c0_i32 = arith.constant 0 : i32
    %c0_i32_0 = arith.constant 0 : i32
    %c0_i32_1 = arith.constant 0 : i32
    return %c0_i32, %c0_i32_0 : i32, i32
  }
  func.func @transform_2(%arg0: i32) -> (i32, i32) {
    %c0_i32 = arith.constant 0 : i32
    %c0_i32_0 = arith.constant 0 : i32
    return %arg0, %c0_i32 : i32, i32
  }
  func.func @transform_3(%arg0: i32) -> (i32, i32) {
    %c0_i32 = arith.constant 0 : i32
    %c0_i32_0 = arith.constant 0 : i32
    return %arg0, %c0_i32 : i32, i32
  }
}

module attributes {stable_mosaic.version = 14 : i64} {
  func.func @_amm2_body(%arg0: i32, %arg1: i32, %arg2: memref<1024x1024xbf16, #tpu.memory_space<vmem>>, %arg3: memref<1024x256xf32, #tpu.memory_space<vmem>>, %arg4: memref<1024x256xf32, #tpu.memory_space<vmem>>, %arg5: memref<1x256xf32, #tpu.memory_space<vmem>>, %arg6: memref<1024x1xf32, #tpu.memory_space<vmem>>, %arg7: memref<1024x256xf32, #tpu.memory_space<vmem>>, %arg8: memref<1024x256xf32, #tpu.memory_space<vmem>>) attributes {dimension_semantics = [#tpu.dimension_semantics<parallel>, #tpu.dimension_semantics<arbitrary>], iteration_bounds = array<i64: 4, 4>, scalar_prefetch = 0 : i64, scratch_operands = 1 : i64, tpu.core_type = #tpu.core_type<tc>, window_params = [{transform_indices = @transform_0, window_bounds = array<i64: 1024, 1024>}, {transform_indices = @transform_1, window_bounds = array<i64: 1024, 256>}, {transform_indices = @transform_2, window_bounds = array<i64: 1024, 256>}, {pipeline_mode = #tpu.pipeline_mode<synchronous>, transform_indices = @transform_3, window_bounds = array<i64: 1, 256>}, {transform_indices = @transform_4, window_bounds = array<i64: 1024, 1>}, {transform_indices = @transform_5, window_bounds = array<i64: 1024, 256>}]} {
    %eq3A = arith.constant 0 : i32
    %eq3A_0 = arith.cmpi eq, %arg1, %eq3A : i32
    %convert_element_type3A = arith.extui %eq3A_0 : i1 to i32
    %cond3A = arith.constant 0 : i32
    %cond3A_1 = arith.cmpi ne, %convert_element_type3A, %cond3A : i32
    scf.if %cond3A_1 {
      %broadcast_in_dim3A = arith.constant 0.000000e+00 : f32
      %broadcast_in_dim3A_19 = vector.broadcast %broadcast_in_dim3A : f32 to vector<1024x256xf32>
      %swap3A_20 = arith.constant 0 : index
      %swap3A_21 = arith.constant 0 : index
      %swap3A_22 = vector.load %arg8[%swap3A_20, %swap3A_21] : memref<1024x256xf32, #tpu.memory_space<vmem>>, vector<1024x256xf32>
      tpu.vector_store %arg8[%swap3A_20, %swap3A_21], %broadcast_in_dim3A_19 {strides = array<i32>} : memref<1024x256xf32, #tpu.memory_space<vmem>>, vector<1024x256xf32>,
    } else {
    }
    %get3A = arith.constant 0 : index
    %get3A_2 = arith.constant 0 : index
    %get3A_3 = vector.load %arg8[%get3A, %get3A_2] : memref<1024x256xf32, #tpu.memory_space<vmem>>, vector<1024x256xf32>
    %get3A_4 = arith.constant 0 : index
    %get3A_5 = arith.constant 0 : index
    %get3A_6 = vector.load %arg2[%get3A_4, %get3A_5] : memref<1024x1024xbf16, #tpu.memory_space<vmem>>, vector<1024x1024xbf16>
    %get3A_7 = arith.constant 0 : index
    %get3A_8 = arith.constant 0 : index
    %get3A_9 = vector.load %arg3[%get3A_7, %get3A_8] : memref<1024x256xf32, #tpu.memory_space<vmem>>, vector<1024x256xf32>
    %convert_element_type3A_10 = arith.truncf %get3A_9 : vector<1024x256xf32> to vector<1024x256xbf16>
    %dot_general3A = arith.constant dense<0.000000e+00> : vector<1024x256xf32>
    %dot_general3A_11 = tpu.matmul %get3A_6, %convert_element_type3A_10, %dot_general3A {dimension_numbers = #tpu.dot_dimension_numbers<[1], [0], [0], [1], [0, 0, 1, 1], [], []>, transpose_lhs_hint = false} : vector<1024x1024xbf16>, vector<1024x256xbf16>, vector<1024x256xf32> -> vector<1024x256xf32>
    %add3A = arith.addf %get3A_3, %dot_general3A_11 : vector<1024x256xf32>
    %swap3A = arith.constant 0 : index
    %swap3A_12 = arith.constant 0 : index
    %swap3A_13 = vector.load %arg8[%swap3A, %swap3A_12] : memref<1024x256xf32, #tpu.memory_space<vmem>>, vector<1024x256xf32>
    tpu.vector_store %arg8[%swap3A, %swap3A_12], %add3A {strides = array<i32>} : memref<1024x256xf32, #tpu.memory_space<vmem>>, vector<1024x256xf32>,
    %eq3A_14 = arith.constant 3 : i32
    %eq3A_15 = arith.cmpi eq, %arg1, %eq3A_14 : i32
    %convert_element_type3A_16 = arith.extui %eq3A_15 : i1 to i32
    %cond3A_17 = arith.constant 0 : i32
    %cond3A_18 = arith.cmpi ne, %convert_element_type3A_16, %cond3A_17 : i32
    scf.if %cond3A_18 {
      %get3A_19 = arith.constant 0 : index
      %get3A_20 = arith.constant 0 : index
      %get3A_21 = vector.load %arg8[%get3A_19, %get3A_20] : memref<1024x256xf32, #tpu.memory_space<vmem>>, vector<1024x256xf32>
      %get3A_22 = arith.constant 0 : index
      %get3A_23 = arith.constant 0 : index
      %get3A_24 = vector.load %arg4[%get3A_22, %get3A_23] : memref<1024x256xf32, #tpu.memory_space<vmem>>, vector<1024x256xf32>
      %add3A_25 = arith.addf %get3A_21, %get3A_24 : vector<1024x256xf32>
      %slice3A = vector.extract_strided_slice %add3A_25 {offsets = [0, 0], sizes = [1024, 128], strides = [1, 1]} : vector<1024x256xf32> to vector<1024x128xf32>
      %get3A_26 = arith.constant 0 : index
      %get3A_27 = arith.constant 0 : index
      %get3A_28 = vector.load %arg6[%get3A_26, %get3A_27] : memref<1024x1xf32, #tpu.memory_space<vmem>>, vector<1024x1xf32>
      %mul3A = vector.broadcast %get3A_28 : vector<1024x1xf32> to vector<1024x128xf32>
      %mul3A_29 = arith.mulf %slice3A, %mul3A : vector<1024x128xf32>
      %get3A_30 = arith.constant 0 : index
      %get3A_31 = arith.constant 0 : index
      %get3A_32 = vector.load %arg5[%get3A_30, %get3A_31] : memref<1x256xf32, #tpu.memory_space<vmem>>, vector<1x128xf32>
      %add3A_33 = vector.broadcast %get3A_32 : vector<1x128xf32> to vector<1024x128xf32>
      %add3A_34 = arith.addf %mul3A_29, %add3A_33 : vector<1024x128xf32>
      %slice3A_35 = vector.extract_strided_slice %add3A_25 {offsets = [0, 128], sizes = [1024, 128], strides = [1, 1]} : vector<1024x256xf32> to vector<1024x128xf32>
      %get3A_36 = arith.constant 0 : index
      %get3A_37 = arith.constant 128 : index
      %get3A_38 = vector.load %arg5[%get3A_36, %get3A_37] : memref<1x256xf32, #tpu.memory_space<vmem>>, vector<1x128xf32>
      %add3A_39 = vector.broadcast %get3A_38 : vector<1x128xf32> to vector<1024x128xf32>
      %add3A_40 = arith.addf %slice3A_35, %add3A_39 : vector<1024x128xf32>
      %max3A = arith.constant 0.000000e+00 : f32
      %max3A_41 = vector.broadcast %max3A : f32 to vector<1024x128xf32>
      %max3A_42 = arith.maximumf %add3A_40, %max3A_41 : vector<1024x128xf32>
      %abs3A = math.absf %add3A_40 : vector<1024x128xf32>
      %neg3A = arith.constant 0.000000e+00 : f32
      %neg3A_43 = vector.broadcast %neg3A : f32 to vector<1024x128xf32>
      %neg3A_44 = arith.subf %neg3A_43, %abs3A : vector<1024x128xf32>
      %exp3A = math.exp %neg3A_44 : vector<1024x128xf32>
      %log1p3A = math.log1p %exp3A : vector<1024x128xf32>
      %add3A_45 = arith.addf %max3A_42, %log1p3A : vector<1024x128xf32>
      %concatenate3A = tpu.concatenate %add3A_34, %add3A_45 in 1 : vector<1024x128xf32>, vector<1024x128xf32> -> vector<1024x256xf32>
      %swap3A_46 = arith.constant 0 : index
      %swap3A_47 = arith.constant 0 : index
      %swap3A_48 = vector.load %arg7[%swap3A_46, %swap3A_47] : memref<1024x256xf32, #tpu.memory_space<vmem>>, vector<1024x256xf32>
      tpu.vector_store %arg7[%swap3A_46, %swap3A_47], %concatenate3A {strides = array<i32>} : memref<1024x256xf32, #tpu.memory_space<vmem>>, vector<1024x256xf32>,
    } else {
    }
    return
  }
  func.func @transform_0(%arg0: i32, %arg1: i32) -> (i32, i32) {
    %c0_i32 = arith.constant 0 : i32
    return %arg0, %arg1 : i32, i32
  }
  func.func @transform_1(%arg0: i32, %arg1: i32) -> (i32, i32) {
    %c0_i32 = arith.constant 0 : i32
    %c0_i32_0 = arith.constant 0 : i32
    return %arg1, %c0_i32 : i32, i32
  }
  func.func @transform_2(%arg0: i32, %arg1: i32) -> (i32, i32) {
    %c0_i32 = arith.constant 0 : i32
    %c0_i32_0 = arith.constant 0 : i32
    return %arg0, %c0_i32 : i32, i32
  }
  func.func @transform_3(%arg0: i32, %arg1: i32) -> (i32, i32) {
    %c0_i32 = arith.constant 0 : i32
    %c0_i32_0 = arith.constant 0 : i32
    %c0_i32_1 = arith.constant 0 : i32
    return %c0_i32, %c0_i32_0 : i32, i32
  }
  func.func @transform_4(%arg0: i32, %arg1: i32) -> (i32, i32) {
    %c0_i32 = arith.constant 0 : i32
    %c0_i32_0 = arith.constant 0 : i32
    return %arg0, %c0_i32 : i32, i32
  }
  func.func @transform_5(%arg0: i32, %arg1: i32) -> (i32, i32) {
    %c0_i32 = arith.constant 0 : i32
    %c0_i32_0 = arith.constant 0 : i32
    return %arg0, %c0_i32 : i32, i32
  }
}

module attributes {stable_mosaic.version = 14 : i64} {
  func.func @_d5_body(%arg0: i32, %arg1: memref<1024x256xf32, #tpu.memory_space<vmem>>, %arg2: memref<1024x128xf32, #tpu.memory_space<vmem>>, %arg3: memref<128x256xf32, #tpu.memory_space<vmem>>, %arg4: memref<1024x128xf32, #tpu.memory_space<vmem>>, %arg5: memref<1024x256xf32, #tpu.memory_space<vmem>>) attributes {dimension_semantics = [#tpu.dimension_semantics<arbitrary>], iteration_bounds = array<i64: 4>, scalar_prefetch = 0 : i64, scratch_operands = 0 : i64, tpu.core_type = #tpu.core_type<tc>, window_params = [{transform_indices = @transform_0, window_bounds = array<i64: 1024, 256>}, {transform_indices = @transform_1, window_bounds = array<i64: 1024, 128>}, {pipeline_mode = #tpu.pipeline_mode<synchronous>, transform_indices = @transform_2, window_bounds = array<i64: 128, 256>}, {transform_indices = @transform_3, window_bounds = array<i64: 1024, 128>}, {transform_indices = @transform_4, window_bounds = array<i64: 1024, 256>}]} {
    %get3A = arith.constant 0 : index
    %get3A_0 = arith.constant 0 : index
    %get3A_1 = vector.load %arg1[%get3A, %get3A_0] : memref<1024x256xf32, #tpu.memory_space<vmem>>, vector<1024x128xf32>
    %get3A_2 = arith.constant 0 : index
    %get3A_3 = arith.constant 0 : index
    %get3A_4 = vector.load %arg2[%get3A_2, %get3A_3] : memref<1024x128xf32, #tpu.memory_space<vmem>>, vector<1024x128xf32>
    %get3A_5 = arith.constant 0 : index
    %get3A_6 = arith.constant 128 : index
    %get3A_7 = vector.load %arg1[%get3A_5, %get3A_6] : memref<1024x256xf32, #tpu.memory_space<vmem>>, vector<1024x128xf32>
    %mul3A = arith.mulf %get3A_4, %get3A_7 : vector<1024x128xf32>
    %add3A = arith.addf %get3A_1, %mul3A : vector<1024x128xf32>
    %swap3A = arith.constant 0 : index
    %swap3A_8 = arith.constant 0 : index
    %swap3A_9 = vector.load %arg4[%swap3A, %swap3A_8] : memref<1024x128xf32, #tpu.memory_space<vmem>>, vector<1024x128xf32>
    tpu.vector_store %arg4[%swap3A, %swap3A_8], %add3A {strides = array<i32>} : memref<1024x128xf32, #tpu.memory_space<vmem>>, vector<1024x128xf32>,
    %get3A_10 = arith.constant 0 : index
    %get3A_11 = arith.constant 0 : index
    %get3A_12 = vector.load %arg3[%get3A_10, %get3A_11] : memref<128x256xf32, #tpu.memory_space<vmem>>, vector<128x256xf32>
    %dot_general3A = arith.constant dense<0.000000e+00> : vector<1024x256xf32>
    %dot_general3A_13 = tpu.matmul %add3A, %get3A_12, %dot_general3A {dimension_numbers = #tpu.dot_dimension_numbers<[1], [0], [0], [1], [0, 0, 1, 1], [], []>, transpose_lhs_hint = false} : vector<1024x128xf32>, vector<128x256xf32>, vector<1024x256xf32> -> vector<1024x256xf32>
    %max3A = arith.constant 0.000000e+00 : f32
    %max3A_14 = vector.broadcast %max3A : f32 to vector<1024x256xf32>
    %max3A_15 = arith.maximumf %dot_general3A_13, %max3A_14 : vector<1024x256xf32>
    %swap3A_16 = arith.constant 0 : index
    %swap3A_17 = arith.constant 0 : index
    %swap3A_18 = vector.load %arg5[%swap3A_16, %swap3A_17] : memref<1024x256xf32, #tpu.memory_space<vmem>>, vector<1024x256xf32>
    tpu.vector_store %arg5[%swap3A_16, %swap3A_17], %max3A_15 {strides = array<i32>} : memref<1024x256xf32, #tpu.memory_space<vmem>>, vector<1024x256xf32>,
    return
  }
  func.func @transform_0(%arg0: i32) -> (i32, i32) {
    %c0_i32 = arith.constant 0 : i32
    %c0_i32_0 = arith.constant 0 : i32
    return %arg0, %c0_i32 : i32, i32
  }
  func.func @transform_1(%arg0: i32) -> (i32, i32) {
    %c0_i32 = arith.constant 0 : i32
    %c0_i32_0 = arith.constant 0 : i32
    return %arg0, %c0_i32 : i32, i32
  }
  func.func @transform_2(%arg0: i32) -> (i32, i32) {
    %c0_i32 = arith.constant 0 : i32
    %c0_i32_0 = arith.constant 0 : i32
    %c0_i32_1 = arith.constant 0 : i32
    return %c0_i32, %c0_i32_0 : i32, i32
  }
  func.func @transform_3(%arg0: i32) -> (i32, i32) {
    %c0_i32 = arith.constant 0 : i32
    %c0_i32_0 = arith.constant 0 : i32
    return %arg0, %c0_i32 : i32, i32
  }
  func.func @transform_4(%arg0: i32) -> (i32, i32) {
    %c0_i32 = arith.constant 0 : i32
    %c0_i32_0 = arith.constant 0 : i32
    return %arg0, %c0_i32 : i32, i32
  }
}

module attributes {stable_mosaic.version = 14 : i64} {
  func.func @_d6_body(%arg0: i32, %arg1: memref<1024x256xf32, #tpu.memory_space<vmem>>, %arg2: memref<1024x256xf32, #tpu.memory_space<vmem>>, %arg3: memref<1024x256xf32, #tpu.memory_space<vmem>>, %arg4: memref<256x768xf32, #tpu.memory_space<vmem>>, %arg5: memref<256x768xf32, #tpu.memory_space<vmem>>, %arg6: memref<256x768xf32, #tpu.memory_space<vmem>>, %arg7: memref<1024x768xf32, #tpu.memory_space<vmem>>) attributes {dimension_semantics = [#tpu.dimension_semantics<arbitrary>], iteration_bounds = array<i64: 4>, scalar_prefetch = 0 : i64, scratch_operands = 0 : i64, tpu.core_type = #tpu.core_type<tc>, window_params = [{transform_indices = @transform_0, window_bounds = array<i64: 1024, 256>}, {transform_indices = @transform_1, window_bounds = array<i64: 1024, 256>}, {transform_indices = @transform_2, window_bounds = array<i64: 1024, 256>}, {pipeline_mode = #tpu.pipeline_mode<synchronous>, transform_indices = @transform_3, window_bounds = array<i64: 256, 768>}, {pipeline_mode = #tpu.pipeline_mode<synchronous>, transform_indices = @transform_4, window_bounds = array<i64: 256, 768>}, {pipeline_mode = #tpu.pipeline_mode<synchronous>, transform_indices = @transform_5, window_bounds = array<i64: 256, 768>}, {transform_indices = @transform_6, window_bounds = array<i64: 1024, 768>}]} {
    %get3A = arith.constant 0 : index
    %get3A_0 = arith.constant 0 : index
    %get3A_1 = vector.load %arg1[%get3A, %get3A_0] : memref<1024x256xf32, #tpu.memory_space<vmem>>, vector<1024x256xf32>
    %get3A_2 = arith.constant 0 : index
    %get3A_3 = arith.constant 0 : index
    %get3A_4 = vector.load %arg4[%get3A_2, %get3A_3] : memref<256x768xf32, #tpu.memory_space<vmem>>, vector<256x768xf32>
    %dot_general3A = arith.constant dense<0.000000e+00> : vector<1024x768xf32>
    %dot_general3A_5 = tpu.matmul %get3A_1, %get3A_4, %dot_general3A {dimension_numbers = #tpu.dot_dimension_numbers<[1], [0], [0], [1], [0, 0, 1, 1], [], []>, transpose_lhs_hint = false} : vector<1024x256xf32>, vector<256x768xf32>, vector<1024x768xf32> -> vector<1024x768xf32>
    %get3A_6 = arith.constant 0 : index
    %get3A_7 = arith.constant 0 : index
    %get3A_8 = vector.load %arg2[%get3A_6, %get3A_7] : memref<1024x256xf32, #tpu.memory_space<vmem>>, vector<1024x256xf32>
    %get3A_9 = arith.constant 0 : index
    %get3A_10 = arith.constant 0 : index
    %get3A_11 = vector.load %arg5[%get3A_9, %get3A_10] : memref<256x768xf32, #tpu.memory_space<vmem>>, vector<256x768xf32>
    %dot_general3A_12 = arith.constant dense<0.000000e+00> : vector<1024x768xf32>
    %dot_general3A_13 = tpu.matmul %get3A_8, %get3A_11, %dot_general3A_12 {dimension_numbers = #tpu.dot_dimension_numbers<[1], [0], [0], [1], [0, 0, 1, 1], [], []>, transpose_lhs_hint = false} : vector<1024x256xf32>, vector<256x768xf32>, vector<1024x768xf32> -> vector<1024x768xf32>
    %add3A = arith.addf %dot_general3A_5, %dot_general3A_13 : vector<1024x768xf32>
    %get3A_14 = arith.constant 0 : index
    %get3A_15 = arith.constant 0 : index
    %get3A_16 = vector.load %arg3[%get3A_14, %get3A_15] : memref<1024x256xf32, #tpu.memory_space<vmem>>, vector<1024x256xf32>
    %get3A_17 = arith.constant 0 : index
    %get3A_18 = arith.constant 0 : index
    %get3A_19 = vector.load %arg6[%get3A_17, %get3A_18] : memref<256x768xf32, #tpu.memory_space<vmem>>, vector<256x768xf32>
    %dot_general3A_20 = arith.constant dense<0.000000e+00> : vector<1024x768xf32>
    %dot_general3A_21 = tpu.matmul %get3A_16, %get3A_19, %dot_general3A_20 {dimension_numbers = #tpu.dot_dimension_numbers<[1], [0], [0], [1], [0, 0, 1, 1], [], []>, transpose_lhs_hint = false} : vector<1024x256xf32>, vector<256x768xf32>, vector<1024x768xf32> -> vector<1024x768xf32>
    %add3A_22 = arith.addf %add3A, %dot_general3A_21 : vector<1024x768xf32>
    %swap3A = arith.constant 0 : index
    %swap3A_23 = arith.constant 0 : index
    %swap3A_24 = vector.load %arg7[%swap3A, %swap3A_23] : memref<1024x768xf32, #tpu.memory_space<vmem>>, vector<1024x768xf32>
    tpu.vector_store %arg7[%swap3A, %swap3A_23], %add3A_22 {strides = array<i32>} : memref<1024x768xf32, #tpu.memory_space<vmem>>, vector<1024x768xf32>,
    return
  }
  func.func @transform_0(%arg0: i32) -> (i32, i32) {
    %c0_i32 = arith.constant 0 : i32
    %c0_i32_0 = arith.constant 0 : i32
    return %arg0, %c0_i32 : i32, i32
  }
  func.func @transform_1(%arg0: i32) -> (i32, i32) {
    %c0_i32 = arith.constant 0 : i32
    %c0_i32_0 = arith.constant 0 : i32
    return %arg0, %c0_i32 : i32, i32
  }
  func.func @transform_2(%arg0: i32) -> (i32, i32) {
    %c0_i32 = arith.constant 0 : i32
    %c0_i32_0 = arith.constant 0 : i32
    return %arg0, %c0_i32 : i32, i32
  }
  func.func @transform_3(%arg0: i32) -> (i32, i32) {
    %c0_i32 = arith.constant 0 : i32
    %c0_i32_0 = arith.constant 0 : i32
    %c0_i32_1 = arith.constant 0 : i32
    return %c0_i32, %c0_i32_0 : i32, i32
  }
  func.func @transform_4(%arg0: i32) -> (i32, i32) {
    %c0_i32 = arith.constant 0 : i32
    %c0_i32_0 = arith.constant 0 : i32
    %c0_i32_1 = arith.constant 0 : i32
    return %c0_i32, %c0_i32_0 : i32, i32
  }
  func.func @transform_5(%arg0: i32) -> (i32, i32) {
    %c0_i32 = arith.constant 0 : i32
    %c0_i32_0 = arith.constant 0 : i32
    %c0_i32_1 = arith.constant 0 : i32
    return %c0_i32, %c0_i32_0 : i32, i32
  }
  func.func @transform_6(%arg0: i32) -> (i32, i32) {
    %c0_i32 = arith.constant 0 : i32
    %c0_i32_0 = arith.constant 0 : i32
    return %arg0, %c0_i32 : i32, i32
  }
}

module attributes {stable_mosaic.version = 14 : i64} {
  func.func @_amm3_body(%arg0: i32, %arg1: i32, %arg2: memref<1024x1024xbf16, #tpu.memory_space<vmem>>, %arg3: memref<1024x512xf32, #tpu.memory_space<vmem>>, %arg4: memref<1024x512xf32, #tpu.memory_space<vmem>>, %arg5: memref<1024x512xf32, #tpu.memory_space<vmem>>, %arg6: memref<1024x512xf32, #tpu.memory_space<vmem>>) attributes {dimension_semantics = [#tpu.dimension_semantics<parallel>, #tpu.dimension_semantics<arbitrary>], iteration_bounds = array<i64: 4, 4>, scalar_prefetch = 0 : i64, scratch_operands = 1 : i64, tpu.core_type = #tpu.core_type<tc>, window_params = [{transform_indices = @transform_0, window_bounds = array<i64: 1024, 1024>}, {transform_indices = @transform_1, window_bounds = array<i64: 1024, 512>}, {transform_indices = @transform_2, window_bounds = array<i64: 1024, 512>}, {transform_indices = @transform_3, window_bounds = array<i64: 1024, 512>}]} {
    %eq3A = arith.constant 0 : i32
    %eq3A_0 = arith.cmpi eq, %arg1, %eq3A : i32
    %convert_element_type3A = arith.extui %eq3A_0 : i1 to i32
    %cond3A = arith.constant 0 : i32
    %cond3A_1 = arith.cmpi ne, %convert_element_type3A, %cond3A : i32
    scf.if %cond3A_1 {
      %broadcast_in_dim3A = arith.constant 0.000000e+00 : f32
      %broadcast_in_dim3A_19 = vector.broadcast %broadcast_in_dim3A : f32 to vector<1024x512xf32>
      %swap3A_20 = arith.constant 0 : index
      %swap3A_21 = arith.constant 0 : index
      %swap3A_22 = vector.load %arg6[%swap3A_20, %swap3A_21] : memref<1024x512xf32, #tpu.memory_space<vmem>>, vector<1024x512xf32>
      tpu.vector_store %arg6[%swap3A_20, %swap3A_21], %broadcast_in_dim3A_19 {strides = array<i32>} : memref<1024x512xf32, #tpu.memory_space<vmem>>, vector<1024x512xf32>,
    } else {
    }
    %get3A = arith.constant 0 : index
    %get3A_2 = arith.constant 0 : index
    %get3A_3 = vector.load %arg6[%get3A, %get3A_2] : memref<1024x512xf32, #tpu.memory_space<vmem>>, vector<1024x512xf32>
    %get3A_4 = arith.constant 0 : index
    %get3A_5 = arith.constant 0 : index
    %get3A_6 = vector.load %arg2[%get3A_4, %get3A_5] : memref<1024x1024xbf16, #tpu.memory_space<vmem>>, vector<1024x1024xbf16>
    %get3A_7 = arith.constant 0 : index
    %get3A_8 = arith.constant 0 : index
    %get3A_9 = vector.load %arg3[%get3A_7, %get3A_8] : memref<1024x512xf32, #tpu.memory_space<vmem>>, vector<1024x512xf32>
    %convert_element_type3A_10 = arith.truncf %get3A_9 : vector<1024x512xf32> to vector<1024x512xbf16>
    %dot_general3A = arith.constant dense<0.000000e+00> : vector<1024x512xf32>
    %dot_general3A_11 = tpu.matmul %get3A_6, %convert_element_type3A_10, %dot_general3A {dimension_numbers = #tpu.dot_dimension_numbers<[1], [0], [0], [1], [0, 0, 1, 1], [], []>, transpose_lhs_hint = false} : vector<1024x1024xbf16>, vector<1024x512xbf16>, vector<1024x512xf32> -> vector<1024x512xf32>
    %add3A = arith.addf %get3A_3, %dot_general3A_11 : vector<1024x512xf32>
    %swap3A = arith.constant 0 : index
    %swap3A_12 = arith.constant 0 : index
    %swap3A_13 = vector.load %arg6[%swap3A, %swap3A_12] : memref<1024x512xf32, #tpu.memory_space<vmem>>, vector<1024x512xf32>
    tpu.vector_store %arg6[%swap3A, %swap3A_12], %add3A {strides = array<i32>} : memref<1024x512xf32, #tpu.memory_space<vmem>>, vector<1024x512xf32>,
    %eq3A_14 = arith.constant 3 : i32
    %eq3A_15 = arith.cmpi eq, %arg1, %eq3A_14 : i32
    %convert_element_type3A_16 = arith.extui %eq3A_15 : i1 to i32
    %cond3A_17 = arith.constant 0 : i32
    %cond3A_18 = arith.cmpi ne, %convert_element_type3A_16, %cond3A_17 : i32
    scf.if %cond3A_18 {
      %get3A_19 = arith.constant 0 : index
      %get3A_20 = arith.constant 0 : index
      %get3A_21 = vector.load %arg6[%get3A_19, %get3A_20] : memref<1024x512xf32, #tpu.memory_space<vmem>>, vector<1024x512xf32>
      %get3A_22 = arith.constant 0 : index
      %get3A_23 = arith.constant 0 : index
      %get3A_24 = vector.load %arg4[%get3A_22, %get3A_23] : memref<1024x512xf32, #tpu.memory_space<vmem>>, vector<1024x512xf32>
      %add3A_25 = arith.addf %get3A_21, %get3A_24 : vector<1024x512xf32>
      %neg3A = arith.constant 0.000000e+00 : f32
      %neg3A_26 = vector.broadcast %neg3A : f32 to vector<1024x512xf32>
      %neg3A_27 = arith.subf %neg3A_26, %add3A_25 : vector<1024x512xf32>
      %exp3A = math.exp %neg3A_27 : vector<1024x512xf32>
      %add3A_28 = arith.constant 1.000000e+00 : f32
      %add3A_29 = vector.broadcast %add3A_28 : f32 to vector<1024x512xf32>
      %add3A_30 = arith.addf %add3A_29, %exp3A : vector<1024x512xf32>
      %div3A = arith.constant 1.000000e+00 : f32
      %div3A_31 = vector.broadcast %div3A : f32 to vector<1024x512xf32>
      %div3A_32 = arith.divf %div3A_31, %add3A_30 : vector<1024x512xf32>
      %swap3A_33 = arith.constant 0 : index
      %swap3A_34 = arith.constant 0 : index
      %swap3A_35 = vector.load %arg5[%swap3A_33, %swap3A_34] : memref<1024x512xf32, #tpu.memory_space<vmem>>, vector<1024x512xf32>
      tpu.vector_store %arg5[%swap3A_33, %swap3A_34], %div3A_32 {strides = array<i32>} : memref<1024x512xf32, #tpu.memory_space<vmem>>, vector<1024x512xf32>,
    } else {
    }
    return
  }
  func.func @transform_0(%arg0: i32, %arg1: i32) -> (i32, i32) {
    %c0_i32 = arith.constant 0 : i32
    return %arg0, %arg1 : i32, i32
  }
  func.func @transform_1(%arg0: i32, %arg1: i32) -> (i32, i32) {
    %c0_i32 = arith.constant 0 : i32
    %c0_i32_0 = arith.constant 0 : i32
    return %arg1, %c0_i32 : i32, i32
  }
  func.func @transform_2(%arg0: i32, %arg1: i32) -> (i32, i32) {
    %c0_i32 = arith.constant 0 : i32
    %c0_i32_0 = arith.constant 0 : i32
    return %arg0, %c0_i32 : i32, i32
  }
  func.func @transform_3(%arg0: i32, %arg1: i32) -> (i32, i32) {
    %c0_i32 = arith.constant 0 : i32
    %c0_i32_0 = arith.constant 0 : i32
    return %arg0, %c0_i32 : i32, i32
  }
}

module attributes {stable_mosaic.version = 14 : i64} {
  func.func @_d7_body(%arg0: i32, %arg1: memref<1024x256xf32, #tpu.memory_space<vmem>>, %arg2: memref<1024x256xf32, #tpu.memory_space<vmem>>, %arg3: memref<256x256xf32, #tpu.memory_space<vmem>>, %arg4: memref<1024x256xf32, #tpu.memory_space<vmem>>, %arg5: memref<1024x256xf32, #tpu.memory_space<vmem>>) attributes {dimension_semantics = [#tpu.dimension_semantics<arbitrary>], iteration_bounds = array<i64: 4>, scalar_prefetch = 0 : i64, scratch_operands = 0 : i64, tpu.core_type = #tpu.core_type<tc>, window_params = [{transform_indices = @transform_0, window_bounds = array<i64: 1024, 256>}, {transform_indices = @transform_1, window_bounds = array<i64: 1024, 256>}, {pipeline_mode = #tpu.pipeline_mode<synchronous>, transform_indices = @transform_2, window_bounds = array<i64: 256, 256>}, {transform_indices = @transform_3, window_bounds = array<i64: 1024, 256>}, {transform_indices = @transform_4, window_bounds = array<i64: 1024, 256>}]} {
    %get3A = arith.constant 0 : index
    %get3A_0 = arith.constant 0 : index
    %get3A_1 = vector.load %arg1[%get3A, %get3A_0] : memref<1024x256xf32, #tpu.memory_space<vmem>>, vector<1024x256xf32>
    %get3A_2 = arith.constant 0 : index
    %get3A_3 = arith.constant 0 : index
    %get3A_4 = vector.load %arg2[%get3A_2, %get3A_3] : memref<1024x256xf32, #tpu.memory_space<vmem>>, vector<1024x256xf32>
    %mul3A = arith.mulf %get3A_1, %get3A_4 : vector<1024x256xf32>
    %get3A_5 = arith.constant 0 : index
    %get3A_6 = arith.constant 0 : index
    %get3A_7 = vector.load %arg3[%get3A_5, %get3A_6] : memref<256x256xf32, #tpu.memory_space<vmem>>, vector<256x256xf32>
    %dot_general3A = arith.constant dense<0.000000e+00> : vector<1024x256xf32>
    %dot_general3A_8 = tpu.matmul %mul3A, %get3A_7, %dot_general3A {dimension_numbers = #tpu.dot_dimension_numbers<[1], [0], [0], [1], [0, 0, 1, 1], [], []>, transpose_lhs_hint = false} : vector<1024x256xf32>, vector<256x256xf32>, vector<1024x256xf32> -> vector<1024x256xf32>
    %get3A_9 = arith.constant 0 : index
    %get3A_10 = arith.constant 0 : index
    %get3A_11 = vector.load %arg4[%get3A_9, %get3A_10] : memref<1024x256xf32, #tpu.memory_space<vmem>>, vector<1024x256xf32>
    %add3A = arith.addf %dot_general3A_8, %get3A_11 : vector<1024x256xf32>
    %swap3A = arith.constant 0 : index
    %swap3A_12 = arith.constant 0 : index
    %swap3A_13 = vector.load %arg5[%swap3A, %swap3A_12] : memref<1024x256xf32, #tpu.memory_space<vmem>>, vector<1024x256xf32>
    tpu.vector_store %arg5[%swap3A, %swap3A_12], %add3A {strides = array<i32>} : memref<1024x256xf32, #tpu.memory_space<vmem>>, vector<1024x256xf32>,
    return
  }
  func.func @transform_0(%arg0: i32) -> (i32, i32) {
    %c0_i32 = arith.constant 0 : i32
    %c0_i32_0 = arith.constant 0 : i32
    return %arg0, %c0_i32 : i32, i32
  }
  func.func @transform_1(%arg0: i32) -> (i32, i32) {
    %c0_i32 = arith.constant 0 : i32
    %c0_i32_0 = arith.constant 0 : i32
    return %arg0, %c0_i32 : i32, i32
  }
  func.func @transform_2(%arg0: i32) -> (i32, i32) {
    %c0_i32 = arith.constant 0 : i32
    %c0_i32_0 = arith.constant 0 : i32
    %c0_i32_1 = arith.constant 0 : i32
    return %c0_i32, %c0_i32_0 : i32, i32
  }
  func.func @transform_3(%arg0: i32) -> (i32, i32) {
    %c0_i32 = arith.constant 0 : i32
    %c0_i32_0 = arith.constant 0 : i32
    return %arg0, %c0_i32 : i32, i32
  }
  func.func @transform_4(%arg0: i32) -> (i32, i32) {
    %c0_i32 = arith.constant 0 : i32
    %c0_i32_0 = arith.constant 0 : i32
    return %arg0, %c0_i32 : i32, i32
  }
}

module attributes {stable_mosaic.version = 14 : i64} {
  func.func @_amm4_body(%arg0: i32, %arg1: i32, %arg2: memref<1024x1024xbf16, #tpu.memory_space<vmem>>, %arg3: memref<1024x256xf32, #tpu.memory_space<vmem>>, %arg4: memref<1024x256xf32, #tpu.memory_space<vmem>>, %arg5: memref<1024x256xf32, #tpu.memory_space<vmem>>, %arg6: memref<1024x256xf32, #tpu.memory_space<vmem>>, %arg7: memref<1024x256xf32, #tpu.memory_space<vmem>>, %arg8: memref<1024x256xf32, #tpu.memory_space<vmem>>) attributes {dimension_semantics = [#tpu.dimension_semantics<parallel>, #tpu.dimension_semantics<arbitrary>], iteration_bounds = array<i64: 4, 4>, scalar_prefetch = 0 : i64, scratch_operands = 1 : i64, tpu.core_type = #tpu.core_type<tc>, window_params = [{transform_indices = @transform_0, window_bounds = array<i64: 1024, 1024>}, {transform_indices = @transform_1, window_bounds = array<i64: 1024, 256>}, {transform_indices = @transform_2, window_bounds = array<i64: 1024, 256>}, {transform_indices = @transform_3, window_bounds = array<i64: 1024, 256>}, {transform_indices = @transform_4, window_bounds = array<i64: 1024, 256>}, {transform_indices = @transform_5, window_bounds = array<i64: 1024, 256>}]} {
    %eq3A = arith.constant 0 : i32
    %eq3A_0 = arith.cmpi eq, %arg1, %eq3A : i32
    %convert_element_type3A = arith.extui %eq3A_0 : i1 to i32
    %cond3A = arith.constant 0 : i32
    %cond3A_1 = arith.cmpi ne, %convert_element_type3A, %cond3A : i32
    scf.if %cond3A_1 {
      %broadcast_in_dim3A = arith.constant 0.000000e+00 : f32
      %broadcast_in_dim3A_19 = vector.broadcast %broadcast_in_dim3A : f32 to vector<1024x256xf32>
      %swap3A_20 = arith.constant 0 : index
      %swap3A_21 = arith.constant 0 : index
      %swap3A_22 = vector.load %arg8[%swap3A_20, %swap3A_21] : memref<1024x256xf32, #tpu.memory_space<vmem>>, vector<1024x256xf32>
      tpu.vector_store %arg8[%swap3A_20, %swap3A_21], %broadcast_in_dim3A_19 {strides = array<i32>} : memref<1024x256xf32, #tpu.memory_space<vmem>>, vector<1024x256xf32>,
    } else {
    }
    %get3A = arith.constant 0 : index
    %get3A_2 = arith.constant 0 : index
    %get3A_3 = vector.load %arg8[%get3A, %get3A_2] : memref<1024x256xf32, #tpu.memory_space<vmem>>, vector<1024x256xf32>
    %get3A_4 = arith.constant 0 : index
    %get3A_5 = arith.constant 0 : index
    %get3A_6 = vector.load %arg2[%get3A_4, %get3A_5] : memref<1024x1024xbf16, #tpu.memory_space<vmem>>, vector<1024x1024xbf16>
    %get3A_7 = arith.constant 0 : index
    %get3A_8 = arith.constant 0 : index
    %get3A_9 = vector.load %arg3[%get3A_7, %get3A_8] : memref<1024x256xf32, #tpu.memory_space<vmem>>, vector<1024x256xf32>
    %convert_element_type3A_10 = arith.truncf %get3A_9 : vector<1024x256xf32> to vector<1024x256xbf16>
    %dot_general3A = arith.constant dense<0.000000e+00> : vector<1024x256xf32>
    %dot_general3A_11 = tpu.matmul %get3A_6, %convert_element_type3A_10, %dot_general3A {dimension_numbers = #tpu.dot_dimension_numbers<[1], [0], [0], [1], [0, 0, 1, 1], [], []>, transpose_lhs_hint = false} : vector<1024x1024xbf16>, vector<1024x256xbf16>, vector<1024x256xf32> -> vector<1024x256xf32>
    %add3A = arith.addf %get3A_3, %dot_general3A_11 : vector<1024x256xf32>
    %swap3A = arith.constant 0 : index
    %swap3A_12 = arith.constant 0 : index
    %swap3A_13 = vector.load %arg8[%swap3A, %swap3A_12] : memref<1024x256xf32, #tpu.memory_space<vmem>>, vector<1024x256xf32>
    tpu.vector_store %arg8[%swap3A, %swap3A_12], %add3A {strides = array<i32>} : memref<1024x256xf32, #tpu.memory_space<vmem>>, vector<1024x256xf32>,
    %eq3A_14 = arith.constant 3 : i32
    %eq3A_15 = arith.cmpi eq, %arg1, %eq3A_14 : i32
    %convert_element_type3A_16 = arith.extui %eq3A_15 : i1 to i32
    %cond3A_17 = arith.constant 0 : i32
    %cond3A_18 = arith.cmpi ne, %convert_element_type3A_16, %cond3A_17 : i32
    scf.if %cond3A_18 {
      %get3A_19 = arith.constant 0 : index
      %get3A_20 = arith.constant 0 : index
      %get3A_21 = vector.load %arg8[%get3A_19, %get3A_20] : memref<1024x256xf32, #tpu.memory_space<vmem>>, vector<1024x256xf32>
      %get3A_22 = arith.constant 0 : index
      %get3A_23 = arith.constant 0 : index
      %get3A_24 = vector.load %arg4[%get3A_22, %get3A_23] : memref<1024x256xf32, #tpu.memory_space<vmem>>, vector<1024x256xf32>
      %add3A_25 = arith.addf %get3A_21, %get3A_24 : vector<1024x256xf32>
      %tanh3A = math.tanh %add3A_25 : vector<1024x256xf32>
      %get3A_26 = arith.constant 0 : index
      %get3A_27 = arith.constant 0 : index
      %get3A_28 = vector.load %arg5[%get3A_26, %get3A_27] : memref<1024x256xf32, #tpu.memory_space<vmem>>, vector<1024x256xf32>
      %get3A_29 = arith.constant 0 : index
      %get3A_30 = arith.constant 0 : index
      %get3A_31 = vector.load %arg6[%get3A_29, %get3A_30] : memref<1024x256xf32, #tpu.memory_space<vmem>>, vector<1024x256xf32>
      %mul3A = arith.mulf %get3A_28, %get3A_31 : vector<1024x256xf32>
      %sub3A = arith.constant 1.000000e+00 : f32
      %sub3A_32 = vector.broadcast %sub3A : f32 to vector<1024x256xf32>
      %sub3A_33 = arith.subf %sub3A_32, %get3A_28 : vector<1024x256xf32>
      %mul3A_34 = arith.mulf %sub3A_33, %tanh3A : vector<1024x256xf32>
      %add3A_35 = arith.addf %mul3A, %mul3A_34 : vector<1024x256xf32>
      %swap3A_36 = arith.constant 0 : index
      %swap3A_37 = arith.constant 0 : index
      %swap3A_38 = vector.load %arg7[%swap3A_36, %swap3A_37] : memref<1024x256xf32, #tpu.memory_space<vmem>>, vector<1024x256xf32>
      tpu.vector_store %arg7[%swap3A_36, %swap3A_37], %add3A_35 {strides = array<i32>} : memref<1024x256xf32, #tpu.memory_space<vmem>>, vector<1024x256xf32>,
    } else {
    }
    return
  }
  func.func @transform_0(%arg0: i32, %arg1: i32) -> (i32, i32) {
    %c0_i32 = arith.constant 0 : i32
    return %arg0, %arg1 : i32, i32
  }
  func.func @transform_1(%arg0: i32, %arg1: i32) -> (i32, i32) {
    %c0_i32 = arith.constant 0 : i32
    %c0_i32_0 = arith.constant 0 : i32
    return %arg1, %c0_i32 : i32, i32
  }
  func.func @transform_2(%arg0: i32, %arg1: i32) -> (i32, i32) {
    %c0_i32 = arith.constant 0 : i32
    %c0_i32_0 = arith.constant 0 : i32
    return %arg0, %c0_i32 : i32, i32
  }
  func.func @transform_3(%arg0: i32, %arg1: i32) -> (i32, i32) {
    %c0_i32 = arith.constant 0 : i32
    %c0_i32_0 = arith.constant 0 : i32
    return %arg0, %c0_i32 : i32, i32
  }
  func.func @transform_4(%arg0: i32, %arg1: i32) -> (i32, i32) {
    %c0_i32 = arith.constant 0 : i32
    %c0_i32_0 = arith.constant 0 : i32
    return %arg0, %c0_i32 : i32, i32
  }
  func.func @transform_5(%arg0: i32, %arg1: i32) -> (i32, i32) {
    %c0_i32 = arith.constant 0 : i32
    %c0_i32_0 = arith.constant 0 : i32
    return %arg0, %c0_i32 : i32, i32
  }
}

module attributes {stable_mosaic.version = 14 : i64} {
  func.func @_fuse1_body(%arg0: i32, %arg1: memref<1024x128xf32, #tpu.memory_space<vmem>>, %arg2: memref<1024x256xf32, #tpu.memory_space<vmem>>, %arg3: memref<128x256xf32, #tpu.memory_space<vmem>>, %arg4: memref<256x512xf32, #tpu.memory_space<vmem>>, %arg5: memref<256x512xf32, #tpu.memory_space<vmem>>, %arg6: memref<1024x256xf32, #tpu.memory_space<vmem>>, %arg7: memref<1024x512xf32, #tpu.memory_space<vmem>>) attributes {dimension_semantics = [#tpu.dimension_semantics<arbitrary>], iteration_bounds = array<i64: 4>, scalar_prefetch = 0 : i64, scratch_operands = 0 : i64, tpu.core_type = #tpu.core_type<tc>, window_params = [{transform_indices = @transform_0, window_bounds = array<i64: 1024, 128>}, {transform_indices = @transform_1, window_bounds = array<i64: 1024, 256>}, {pipeline_mode = #tpu.pipeline_mode<synchronous>, transform_indices = @transform_2, window_bounds = array<i64: 128, 256>}, {pipeline_mode = #tpu.pipeline_mode<synchronous>, transform_indices = @transform_3, window_bounds = array<i64: 256, 512>}, {pipeline_mode = #tpu.pipeline_mode<synchronous>, transform_indices = @transform_4, window_bounds = array<i64: 256, 512>}, {transform_indices = @transform_5, window_bounds = array<i64: 1024, 256>}, {transform_indices = @transform_6, window_bounds = array<i64: 1024, 512>}]} {
    %get3A = arith.constant 0 : index
    %get3A_0 = arith.constant 0 : index
    %get3A_1 = vector.load %arg1[%get3A, %get3A_0] : memref<1024x128xf32, #tpu.memory_space<vmem>>, vector<1024x128xf32>
    %get3A_2 = arith.constant 0 : index
    %get3A_3 = arith.constant 0 : index
    %get3A_4 = vector.load %arg3[%get3A_2, %get3A_3] : memref<128x256xf32, #tpu.memory_space<vmem>>, vector<128x256xf32>
    %dot_general3A = arith.constant dense<0.000000e+00> : vector<1024x256xf32>
    %dot_general3A_5 = tpu.matmul %get3A_1, %get3A_4, %dot_general3A {dimension_numbers = #tpu.dot_dimension_numbers<[1], [0], [0], [1], [0, 0, 1, 1], [], []>, transpose_lhs_hint = false} : vector<1024x128xf32>, vector<128x256xf32>, vector<1024x256xf32> -> vector<1024x256xf32>
    %max3A = arith.constant 0.000000e+00 : f32
    %max3A_6 = vector.broadcast %max3A : f32 to vector<1024x256xf32>
    %max3A_7 = arith.maximumf %dot_general3A_5, %max3A_6 : vector<1024x256xf32>
    %swap3A = arith.constant 0 : index
    %swap3A_8 = arith.constant 0 : index
    %swap3A_9 = vector.load %arg6[%swap3A, %swap3A_8] : memref<1024x256xf32, #tpu.memory_space<vmem>>, vector<1024x256xf32>
    tpu.vector_store %arg6[%swap3A, %swap3A_8], %max3A_7 {strides = array<i32>} : memref<1024x256xf32, #tpu.memory_space<vmem>>, vector<1024x256xf32>,
    %get3A_10 = arith.constant 0 : index
    %get3A_11 = arith.constant 0 : index
    %get3A_12 = vector.load %arg4[%get3A_10, %get3A_11] : memref<256x512xf32, #tpu.memory_space<vmem>>, vector<256x512xf32>
    %dot_general3A_13 = arith.constant dense<0.000000e+00> : vector<1024x512xf32>
    %dot_general3A_14 = tpu.matmul %max3A_7, %get3A_12, %dot_general3A_13 {dimension_numbers = #tpu.dot_dimension_numbers<[1], [0], [0], [1], [0, 0, 1, 1], [], []>, transpose_lhs_hint = false} : vector<1024x256xf32>, vector<256x512xf32>, vector<1024x512xf32> -> vector<1024x512xf32>
    %get3A_15 = arith.constant 0 : index
    %get3A_16 = arith.constant 0 : index
    %get3A_17 = vector.load %arg2[%get3A_15, %get3A_16] : memref<1024x256xf32, #tpu.memory_space<vmem>>, vector<1024x256xf32>
    %get3A_18 = arith.constant 0 : index
    %get3A_19 = arith.constant 0 : index
    %get3A_20 = vector.load %arg5[%get3A_18, %get3A_19] : memref<256x512xf32, #tpu.memory_space<vmem>>, vector<256x512xf32>
    %dot_general3A_21 = arith.constant dense<0.000000e+00> : vector<1024x512xf32>
    %dot_general3A_22 = tpu.matmul %get3A_17, %get3A_20, %dot_general3A_21 {dimension_numbers = #tpu.dot_dimension_numbers<[1], [0], [0], [1], [0, 0, 1, 1], [], []>, transpose_lhs_hint = false} : vector<1024x256xf32>, vector<256x512xf32>, vector<1024x512xf32> -> vector<1024x512xf32>
    %add3A = arith.addf %dot_general3A_14, %dot_general3A_22 : vector<1024x512xf32>
    %swap3A_23 = arith.constant 0 : index
    %swap3A_24 = arith.constant 0 : index
    %swap3A_25 = vector.load %arg7[%swap3A_23, %swap3A_24] : memref<1024x512xf32, #tpu.memory_space<vmem>>, vector<1024x512xf32>
    tpu.vector_store %arg7[%swap3A_23, %swap3A_24], %add3A {strides = array<i32>} : memref<1024x512xf32, #tpu.memory_space<vmem>>, vector<1024x512xf32>,
    return
  }
  func.func @transform_0(%arg0: i32) -> (i32, i32) {
    %c0_i32 = arith.constant 0 : i32
    %c0_i32_0 = arith.constant 0 : i32
    return %arg0, %c0_i32 : i32, i32
  }
  func.func @transform_1(%arg0: i32) -> (i32, i32) {
    %c0_i32 = arith.constant 0 : i32
    %c0_i32_0 = arith.constant 0 : i32
    return %arg0, %c0_i32 : i32, i32
  }
  func.func @transform_2(%arg0: i32) -> (i32, i32) {
    %c0_i32 = arith.constant 0 : i32
    %c0_i32_0 = arith.constant 0 : i32
    %c0_i32_1 = arith.constant 0 : i32
    return %c0_i32, %c0_i32_0 : i32, i32
  }
  func.func @transform_3(%arg0: i32) -> (i32, i32) {
    %c0_i32 = arith.constant 0 : i32
    %c0_i32_0 = arith.constant 0 : i32
    %c0_i32_1 = arith.constant 0 : i32
    return %c0_i32, %c0_i32_0 : i32, i32
  }
  func.func @transform_4(%arg0: i32) -> (i32, i32) {
    %c0_i32 = arith.constant 0 : i32
    %c0_i32_0 = arith.constant 0 : i32
    %c0_i32_1 = arith.constant 0 : i32
    return %c0_i32, %c0_i32_0 : i32, i32
  }
  func.func @transform_5(%arg0: i32) -> (i32, i32) {
    %c0_i32 = arith.constant 0 : i32
    %c0_i32_0 = arith.constant 0 : i32
    return %arg0, %c0_i32 : i32, i32
  }
  func.func @transform_6(%arg0: i32) -> (i32, i32) {
    %c0_i32 = arith.constant 0 : i32
    %c0_i32_0 = arith.constant 0 : i32
    return %arg0, %c0_i32 : i32, i32
  }
}

module attributes {stable_mosaic.version = 14 : i64} {
  func.func @_d5_body(%arg0: i32, %arg1: memref<1024x256xf32, #tpu.memory_space<vmem>>, %arg2: memref<1024x128xf32, #tpu.memory_space<vmem>>, %arg3: memref<128x256xf32, #tpu.memory_space<vmem>>, %arg4: memref<1024x128xf32, #tpu.memory_space<vmem>>, %arg5: memref<1024x256xf32, #tpu.memory_space<vmem>>) attributes {dimension_semantics = [#tpu.dimension_semantics<arbitrary>], iteration_bounds = array<i64: 4>, scalar_prefetch = 0 : i64, scratch_operands = 0 : i64, tpu.core_type = #tpu.core_type<tc>, window_params = [{transform_indices = @transform_0, window_bounds = array<i64: 1024, 256>}, {transform_indices = @transform_1, window_bounds = array<i64: 1024, 128>}, {pipeline_mode = #tpu.pipeline_mode<synchronous>, transform_indices = @transform_2, window_bounds = array<i64: 128, 256>}, {transform_indices = @transform_3, window_bounds = array<i64: 1024, 128>}, {transform_indices = @transform_4, window_bounds = array<i64: 1024, 256>}]} {
    %get3A = arith.constant 0 : index
    %get3A_0 = arith.constant 0 : index
    %get3A_1 = vector.load %arg1[%get3A, %get3A_0] : memref<1024x256xf32, #tpu.memory_space<vmem>>, vector<1024x128xf32>
    %get3A_2 = arith.constant 0 : index
    %get3A_3 = arith.constant 0 : index
    %get3A_4 = vector.load %arg2[%get3A_2, %get3A_3] : memref<1024x128xf32, #tpu.memory_space<vmem>>, vector<1024x128xf32>
    %get3A_5 = arith.constant 0 : index
    %get3A_6 = arith.constant 128 : index
    %get3A_7 = vector.load %arg1[%get3A_5, %get3A_6] : memref<1024x256xf32, #tpu.memory_space<vmem>>, vector<1024x128xf32>
    %mul3A = arith.mulf %get3A_4, %get3A_7 : vector<1024x128xf32>
    %add3A = arith.addf %get3A_1, %mul3A : vector<1024x128xf32>
    %swap3A = arith.constant 0 : index
    %swap3A_8 = arith.constant 0 : index
    %swap3A_9 = vector.load %arg4[%swap3A, %swap3A_8] : memref<1024x128xf32, #tpu.memory_space<vmem>>, vector<1024x128xf32>
    tpu.vector_store %arg4[%swap3A, %swap3A_8], %add3A {strides = array<i32>} : memref<1024x128xf32, #tpu.memory_space<vmem>>, vector<1024x128xf32>,
    %get3A_10 = arith.constant 0 : index
    %get3A_11 = arith.constant 0 : index
    %get3A_12 = vector.load %arg3[%get3A_10, %get3A_11] : memref<128x256xf32, #tpu.memory_space<vmem>>, vector<128x256xf32>
    %dot_general3A = arith.constant dense<0.000000e+00> : vector<1024x256xf32>
    %dot_general3A_13 = tpu.matmul %add3A, %get3A_12, %dot_general3A {dimension_numbers = #tpu.dot_dimension_numbers<[1], [0], [0], [1], [0, 0, 1, 1], [], []>, transpose_lhs_hint = false} : vector<1024x128xf32>, vector<128x256xf32>, vector<1024x256xf32> -> vector<1024x256xf32>
    %max3A = arith.constant 0.000000e+00 : f32
    %max3A_14 = vector.broadcast %max3A : f32 to vector<1024x256xf32>
    %max3A_15 = arith.maximumf %dot_general3A_13, %max3A_14 : vector<1024x256xf32>
    %swap3A_16 = arith.constant 0 : index
    %swap3A_17 = arith.constant 0 : index
    %swap3A_18 = vector.load %arg5[%swap3A_16, %swap3A_17] : memref<1024x256xf32, #tpu.memory_space<vmem>>, vector<1024x256xf32>
    tpu.vector_store %arg5[%swap3A_16, %swap3A_17], %max3A_15 {strides = array<i32>} : memref<1024x256xf32, #tpu.memory_space<vmem>>, vector<1024x256xf32>,
    return
  }
  func.func @transform_0(%arg0: i32) -> (i32, i32) {
    %c0_i32 = arith.constant 0 : i32
    %c0_i32_0 = arith.constant 0 : i32
    return %arg0, %c0_i32 : i32, i32
  }
  func.func @transform_1(%arg0: i32) -> (i32, i32) {
    %c0_i32 = arith.constant 0 : i32
    %c0_i32_0 = arith.constant 0 : i32
    return %arg0, %c0_i32 : i32, i32
  }
  func.func @transform_2(%arg0: i32) -> (i32, i32) {
    %c0_i32 = arith.constant 0 : i32
    %c0_i32_0 = arith.constant 0 : i32
    %c0_i32_1 = arith.constant 0 : i32
    return %c0_i32, %c0_i32_0 : i32, i32
  }
  func.func @transform_3(%arg0: i32) -> (i32, i32) {
    %c0_i32 = arith.constant 0 : i32
    %c0_i32_0 = arith.constant 0 : i32
    return %arg0, %c0_i32 : i32, i32
  }
  func.func @transform_4(%arg0: i32) -> (i32, i32) {
    %c0_i32 = arith.constant 0 : i32
    %c0_i32_0 = arith.constant 0 : i32
    return %arg0, %c0_i32 : i32, i32
  }
}

module attributes {stable_mosaic.version = 14 : i64} {
  func.func @_dec_body(%arg0: i32, %arg1: i32, %arg2: i32, %arg3: memref<1x1024x64xf32, #tpu.memory_space<vmem>>, %arg4: memref<1x1024x64xf32, #tpu.memory_space<vmem>>, %arg5: memref<1x1024x1024xf32, #tpu.memory_space<vmem>>, %arg6: memref<1x1024x1024xf32, #tpu.memory_space<vmem>>, %arg7: memref<1x1x1024xf32, #tpu.memory_space<vmem>>, %arg8: memref<1x1x1024xf32, #tpu.memory_space<vmem>>, %arg9: memref<1x1x1024xf32, #tpu.memory_space<vmem>>) attributes {dimension_semantics = [#tpu.dimension_semantics<arbitrary>, #tpu.dimension_semantics<arbitrary>, #tpu.dimension_semantics<arbitrary>], iteration_bounds = array<i64: 2, 4, 4>, scalar_prefetch = 0 : i64, scratch_operands = 0 : i64, tpu.core_type = #tpu.core_type<tc>, window_params = [{transform_indices = @transform_0, window_bounds = array<i64: 1, 1024, 64>}, {transform_indices = @transform_1, window_bounds = array<i64: 1, 1024, 64>}, {transform_indices = @transform_2, window_bounds = array<i64: 1, 1024, 1024>}, {transform_indices = @transform_3, window_bounds = array<i64: 1, 1024, 1024>}, {transform_indices = @transform_4, window_bounds = array<i64: 1, 1, 1024>}, {transform_indices = @transform_5, window_bounds = array<i64: 1, 1, 1024>}, {transform_indices = @transform_6, window_bounds = array<i64: 1, 1, 1024>}]} {
    %get3A = arith.constant 0 : index
    %get3A_0 = arith.constant 0 : index
    %get3A_1 = arith.constant 0 : index
    %get3A_2 = vector.load %arg3[%get3A, %get3A_0, %get3A_1] : memref<1x1024x64xf32, #tpu.memory_space<vmem>>, vector<1x1024x64xf32>
    %get3A_3 = vector.shape_cast %get3A_2 : vector<1x1024x64xf32> to vector<1024x64xf32>
    %get3A_4 = arith.constant 0 : index
    %get3A_5 = arith.constant 0 : index
    %get3A_6 = arith.constant 0 : index
    %get3A_7 = vector.load %arg4[%get3A_4, %get3A_5, %get3A_6] : memref<1x1024x64xf32, #tpu.memory_space<vmem>>, vector<1x1024x64xf32>
    %get3A_8 = vector.shape_cast %get3A_7 : vector<1x1024x64xf32> to vector<1024x64xf32>
    %dot_general3A = arith.constant dense<0.000000e+00> : vector<1024x1024xf32>
    %dot_general3A_9 = tpu.matmul %get3A_3, %get3A_8, %dot_general3A {dimension_numbers = #tpu.dot_dimension_numbers<[1], [1], [0], [0], [0, 0, 1, 0], [], []>, transpose_lhs_hint = false} : vector<1024x64xf32>, vector<1024x64xf32>, vector<1024x1024xf32> -> vector<1024x1024xf32>
    %swap3A = arith.constant 0 : index
    %swap3A_10 = arith.constant 0 : index
    %swap3A_11 = arith.constant 0 : index
    %swap3A_12 = vector.load %arg6[%swap3A, %swap3A_10, %swap3A_11] : memref<1x1024x1024xf32, #tpu.memory_space<vmem>>, vector<1x1024x1024xf32>
    %swap3A_13 = vector.shape_cast %swap3A_12 : vector<1x1024x1024xf32> to vector<1024x1024xf32>
    %swap3A_14 = vector.shape_cast %dot_general3A_9 : vector<1024x1024xf32> to vector<1x1024x1024xf32>
    tpu.vector_store %arg6[%swap3A, %swap3A_10, %swap3A_11], %swap3A_14 {strides = array<i32>} : memref<1x1024x1024xf32, #tpu.memory_space<vmem>>, vector<1x1024x1024xf32>,
    %get3A_15 = arith.constant 0 : index
    %get3A_16 = arith.constant 0 : index
    %get3A_17 = arith.constant 0 : index
    %get3A_18 = vector.load %arg5[%get3A_15, %get3A_16, %get3A_17] : memref<1x1024x1024xf32, #tpu.memory_space<vmem>>, vector<1x1024x1024xf32>
    %get3A_19 = vector.shape_cast %get3A_18 : vector<1x1024x1024xf32> to vector<1024x1024xf32>
    %neg3A = arith.constant 0.000000e+00 : f32
    %neg3A_20 = vector.broadcast %neg3A : f32 to vector<1024x1024xf32>
    %neg3A_21 = arith.subf %neg3A_20, %dot_general3A_9 : vector<1024x1024xf32>
    %max3A = arith.constant 0.000000e+00 : f32
    %max3A_22 = vector.broadcast %max3A : f32 to vector<1024x1024xf32>
    %max3A_23 = arith.maximumf %neg3A_21, %max3A_22 : vector<1024x1024xf32>
    %abs3A = math.absf %neg3A_21 : vector<1024x1024xf32>
    %neg3A_24 = arith.constant 0.000000e+00 : f32
    %neg3A_25 = vector.broadcast %neg3A_24 : f32 to vector<1024x1024xf32>
    %neg3A_26 = arith.subf %neg3A_25, %abs3A : vector<1024x1024xf32>
    %exp3A = math.exp %neg3A_26 : vector<1024x1024xf32>
    %log1p3A = math.log1p %exp3A : vector<1024x1024xf32>
    %add3A = arith.addf %max3A_23, %log1p3A : vector<1024x1024xf32>
    %mul3A = arith.mulf %get3A_19, %add3A : vector<1024x1024xf32>
    %reduce_sum3A = arith.constant dense<0.000000e+00> : vector<1024xf32>
    %reduce_sum3A_27 = vector.multi_reduction <add>, %mul3A, %reduce_sum3A [0] : vector<1024x1024xf32> to vector<1024xf32>
    %broadcast_in_dim3A = vector.shape_cast %reduce_sum3A_27 : vector<1024xf32> to vector<1x1024xf32>
    %sub3A = arith.constant 1.000000e+00 : f32
    %sub3A_28 = vector.broadcast %sub3A : f32 to vector<1024x1024xf32>
    %sub3A_29 = arith.subf %sub3A_28, %get3A_19 : vector<1024x1024xf32>
    %max3A_30 = arith.constant 0.000000e+00 : f32
    %max3A_31 = vector.broadcast %max3A_30 : f32 to vector<1024x1024xf32>
    %max3A_32 = arith.maximumf %dot_general3A_9, %max3A_31 : vector<1024x1024xf32>
    %abs3A_33 = math.absf %dot_general3A_9 : vector<1024x1024xf32>
    %neg3A_34 = arith.constant 0.000000e+00 : f32
    %neg3A_35 = vector.broadcast %neg3A_34 : f32 to vector<1024x1024xf32>
    %neg3A_36 = arith.subf %neg3A_35, %abs3A_33 : vector<1024x1024xf32>
    %exp3A_37 = math.exp %neg3A_36 : vector<1024x1024xf32>
    %log1p3A_38 = math.log1p %exp3A_37 : vector<1024x1024xf32>
    %add3A_39 = arith.addf %max3A_32, %log1p3A_38 : vector<1024x1024xf32>
    %mul3A_40 = arith.mulf %sub3A_29, %add3A_39 : vector<1024x1024xf32>
    %reduce_sum3A_41 = arith.constant dense<0.000000e+00> : vector<1024xf32>
    %reduce_sum3A_42 = vector.multi_reduction <add>, %mul3A_40, %reduce_sum3A_41 [0] : vector<1024x1024xf32> to vector<1024xf32>
    %broadcast_in_dim3A_43 = vector.shape_cast %reduce_sum3A_42 : vector<1024xf32> to vector<1x1024xf32>
    %reduce_sum3A_44 = arith.constant dense<0.000000e+00> : vector<1024xf32>
    %reduce_sum3A_45 = vector.multi_reduction <add>, %get3A_19, %reduce_sum3A_44 [0] : vector<1024x1024xf32> to vector<1024xf32>
    %broadcast_in_dim3A_46 = vector.shape_cast %reduce_sum3A_45 : vector<1024xf32> to vector<1x1024xf32>
    %eq3A = arith.constant 0 : i32
    %eq3A_47 = arith.cmpi eq, %arg1, %eq3A : i32
    %eq3A_48 = arith.constant 0 : i32
    %eq3A_49 = arith.cmpi eq, %arg2, %eq3A_48 : i32
    %and3A = arith.andi %eq3A_47, %eq3A_49 : i1
    %convert_element_type3A = arith.extui %and3A : i1 to i32
    %cond3A = arith.constant 0 : i32
    %cond3A_50 = arith.cmpi ne, %convert_element_type3A, %cond3A : i32
    scf.if %cond3A_50 {
      %broadcast_in_dim3A_87 = arith.constant 0.000000e+00 : f32
      %broadcast_in_dim3A_88 = vector.broadcast %broadcast_in_dim3A_87 : f32 to vector<1x1024xf32>
      %swap3A_89 = arith.constant 0 : index
      %swap3A_90 = arith.constant 0 : index
      %swap3A_91 = arith.constant 0 : index
      %swap3A_92 = vector.load %arg7[%swap3A_89, %swap3A_90, %swap3A_91] : memref<1x1x1024xf32, #tpu.memory_space<vmem>>, vector<1x1x1024xf32>
      %swap3A_93 = vector.shape_cast %swap3A_92 : vector<1x1x1024xf32> to vector<1x1024xf32>
      %swap3A_94 = vector.shape_cast %broadcast_in_dim3A_88 : vector<1x1024xf32> to vector<1x1x1024xf32>
      tpu.vector_store %arg7[%swap3A_89, %swap3A_90, %swap3A_91], %swap3A_94 {strides = array<i32>} : memref<1x1x1024xf32, #tpu.memory_space<vmem>>, vector<1x1x1024xf32>,
      %broadcast_in_dim3A_95 = arith.constant 0.000000e+00 : f32
      %broadcast_in_dim3A_96 = vector.broadcast %broadcast_in_dim3A_95 : f32 to vector<1x1024xf32>
      %swap3A_97 = arith.constant 0 : index
      %swap3A_98 = arith.constant 0 : index
      %swap3A_99 = arith.constant 0 : index
      %swap3A_100 = vector.load %arg8[%swap3A_97, %swap3A_98, %swap3A_99] : memref<1x1x1024xf32, #tpu.memory_space<vmem>>, vector<1x1x1024xf32>
      %swap3A_101 = vector.shape_cast %swap3A_100 : vector<1x1x1024xf32> to vector<1x1024xf32>
      %swap3A_102 = vector.shape_cast %broadcast_in_dim3A_96 : vector<1x1024xf32> to vector<1x1x1024xf32>
      tpu.vector_store %arg8[%swap3A_97, %swap3A_98, %swap3A_99], %swap3A_102 {strides = array<i32>} : memref<1x1x1024xf32, #tpu.memory_space<vmem>>, vector<1x1x1024xf32>,
      %broadcast_in_dim3A_103 = arith.constant 0.000000e+00 : f32
      %broadcast_in_dim3A_104 = vector.broadcast %broadcast_in_dim3A_103 : f32 to vector<1x1024xf32>
      %swap3A_105 = arith.constant 0 : index
      %swap3A_106 = arith.constant 0 : index
      %swap3A_107 = arith.constant 0 : index
      %swap3A_108 = vector.load %arg9[%swap3A_105, %swap3A_106, %swap3A_107] : memref<1x1x1024xf32, #tpu.memory_space<vmem>>, vector<1x1x1024xf32>
      %swap3A_109 = vector.shape_cast %swap3A_108 : vector<1x1x1024xf32> to vector<1x1024xf32>
      %swap3A_110 = vector.shape_cast %broadcast_in_dim3A_104 : vector<1x1024xf32> to vector<1x1x1024xf32>
      tpu.vector_store %arg9[%swap3A_105, %swap3A_106, %swap3A_107], %swap3A_110 {strides = array<i32>} : memref<1x1x1024xf32, #tpu.memory_space<vmem>>, vector<1x1x1024xf32>,
    } else {
    }
    %get3A_51 = arith.constant 0 : index
    %get3A_52 = arith.constant 0 : index
    %get3A_53 = arith.constant 0 : index
    %get3A_54 = vector.load %arg7[%get3A_51, %get3A_52, %get3A_53] : memref<1x1x1024xf32, #tpu.memory_space<vmem>>, vector<1x1x1024xf32>
    %get3A_55 = vector.shape_cast %get3A_54 : vector<1x1x1024xf32> to vector<1x1024xf32>
    %add3A_56 = arith.addf %get3A_55, %broadcast_in_dim3A : vector<1x1024xf32>
    %swap3A_57 = arith.constant 0 : index
    %swap3A_58 = arith.constant 0 : index
    %swap3A_59 = arith.constant 0 : index
    %swap3A_60 = vector.load %arg7[%swap3A_57, %swap3A_58, %swap3A_59] : memref<1x1x1024xf32, #tpu.memory_space<vmem>>, vector<1x1x1024xf32>
    %swap3A_61 = vector.shape_cast %swap3A_60 : vector<1x1x1024xf32> to vector<1x1024xf32>
    %swap3A_62 = vector.shape_cast %add3A_56 : vector<1x1024xf32> to vector<1x1x1024xf32>
    tpu.vector_store %arg7[%swap3A_57, %swap3A_58, %swap3A_59], %swap3A_62 {strides = array<i32>} : memref<1x1x1024xf32, #tpu.memory_space<vmem>>, vector<1x1x1024xf32>,
    %get3A_63 = arith.constant 0 : index
    %get3A_64 = arith.constant 0 : index
    %get3A_65 = arith.constant 0 : index
    %get3A_66 = vector.load %arg8[%get3A_63, %get3A_64, %get3A_65] : memref<1x1x1024xf32, #tpu.memory_space<vmem>>, vector<1x1x1024xf32>
    %get3A_67 = vector.shape_cast %get3A_66 : vector<1x1x1024xf32> to vector<1x1024xf32>
    %add3A_68 = arith.addf %get3A_67, %broadcast_in_dim3A_43 : vector<1x1024xf32>
    %swap3A_69 = arith.constant 0 : index
    %swap3A_70 = arith.constant 0 : index
    %swap3A_71 = arith.constant 0 : index
    %swap3A_72 = vector.load %arg8[%swap3A_69, %swap3A_70, %swap3A_71] : memref<1x1x1024xf32, #tpu.memory_space<vmem>>, vector<1x1x1024xf32>
    %swap3A_73 = vector.shape_cast %swap3A_72 : vector<1x1x1024xf32> to vector<1x1024xf32>
    %swap3A_74 = vector.shape_cast %add3A_68 : vector<1x1024xf32> to vector<1x1x1024xf32>
    tpu.vector_store %arg8[%swap3A_69, %swap3A_70, %swap3A_71], %swap3A_74 {strides = array<i32>} : memref<1x1x1024xf32, #tpu.memory_space<vmem>>, vector<1x1x1024xf32>,
    %get3A_75 = arith.constant 0 : index
    %get3A_76 = arith.constant 0 : index
    %get3A_77 = arith.constant 0 : index
    %get3A_78 = vector.load %arg9[%get3A_75, %get3A_76, %get3A_77] : memref<1x1x1024xf32, #tpu.memory_space<vmem>>, vector<1x1x1024xf32>
    %get3A_79 = vector.shape_cast %get3A_78 : vector<1x1x1024xf32> to vector<1x1024xf32>
    %add3A_80 = arith.addf %get3A_79, %broadcast_in_dim3A_46 : vector<1x1024xf32>
    %swap3A_81 = arith.constant 0 : index
    %swap3A_82 = arith.constant 0 : index
    %swap3A_83 = arith.constant 0 : index
    %swap3A_84 = vector.load %arg9[%swap3A_81, %swap3A_82, %swap3A_83] : memref<1x1x1024xf32, #tpu.memory_space<vmem>>, vector<1x1x1024xf32>
    %swap3A_85 = vector.shape_cast %swap3A_84 : vector<1x1x1024xf32> to vector<1x1024xf32>
    %swap3A_86 = vector.shape_cast %add3A_80 : vector<1x1024xf32> to vector<1x1x1024xf32>
    tpu.vector_store %arg9[%swap3A_81, %swap3A_82, %swap3A_83], %swap3A_86 {strides = array<i32>} : memref<1x1x1024xf32, #tpu.memory_space<vmem>>, vector<1x1x1024xf32>,
    return
  }
  func.func @transform_0(%arg0: i32, %arg1: i32, %arg2: i32) -> (i32, i32, i32) {
    %c0_i32 = arith.constant 0 : i32
    %c0_i32_0 = arith.constant 0 : i32
    return %arg0, %arg1, %c0_i32 : i32, i32, i32
  }
  func.func @transform_1(%arg0: i32, %arg1: i32, %arg2: i32) -> (i32, i32, i32) {
    %c0_i32 = arith.constant 0 : i32
    %c0_i32_0 = arith.constant 0 : i32
    return %arg0, %arg2, %c0_i32 : i32, i32, i32
  }
  func.func @transform_2(%arg0: i32, %arg1: i32, %arg2: i32) -> (i32, i32, i32) {
    %c0_i32 = arith.constant 0 : i32
    return %arg0, %arg1, %arg2 : i32, i32, i32
  }
  func.func @transform_3(%arg0: i32, %arg1: i32, %arg2: i32) -> (i32, i32, i32) {
    %c0_i32 = arith.constant 0 : i32
    return %arg0, %arg1, %arg2 : i32, i32, i32
  }
  func.func @transform_4(%arg0: i32, %arg1: i32, %arg2: i32) -> (i32, i32, i32) {
    %c0_i32 = arith.constant 0 : i32
    %c0_i32_0 = arith.constant 0 : i32
    %c0_i32_1 = arith.constant 0 : i32
    return %arg0, %c0_i32, %c0_i32_0 : i32, i32, i32
  }
  func.func @transform_5(%arg0: i32, %arg1: i32, %arg2: i32) -> (i32, i32, i32) {
    %c0_i32 = arith.constant 0 : i32
    %c0_i32_0 = arith.constant 0 : i32
    %c0_i32_1 = arith.constant 0 : i32
    return %arg0, %c0_i32, %c0_i32_0 : i32, i32, i32
  }
  func.func @transform_6(%arg0: i32, %arg1: i32, %arg2: i32) -> (i32, i32, i32) {
    %c0_i32 = arith.constant 0 : i32
    %c0_i32_0 = arith.constant 0 : i32
    %c0_i32_1 = arith.constant 0 : i32
    return %arg0, %c0_i32, %c0_i32_0 : i32, i32, i32
  }
}

module attributes {stable_mosaic.version = 14 : i64} {
  func.func @_kld_body(%arg0: i32, %arg1: memref<1024x256xf32, #tpu.memory_space<vmem>>, %arg2: memref<1024x256xf32, #tpu.memory_space<vmem>>, %arg3: memref<1x128xf32, #tpu.memory_space<vmem>>) attributes {dimension_semantics = [#tpu.dimension_semantics<arbitrary>], iteration_bounds = array<i64: 4>, scalar_prefetch = 0 : i64, scratch_operands = 0 : i64, tpu.core_type = #tpu.core_type<tc>, window_params = [{transform_indices = @transform_0, window_bounds = array<i64: 1024, 256>}, {transform_indices = @transform_1, window_bounds = array<i64: 1024, 256>}, {pipeline_mode = #tpu.pipeline_mode<synchronous>, transform_indices = @transform_2, window_bounds = array<i64: 1, 128>}]} {
    %get3A = arith.constant 0 : index
    %get3A_0 = arith.constant 0 : index
    %get3A_1 = vector.load %arg1[%get3A, %get3A_0] : memref<1024x256xf32, #tpu.memory_space<vmem>>, vector<1024x128xf32>
    %get3A_2 = arith.constant 0 : index
    %get3A_3 = arith.constant 128 : index
    %get3A_4 = vector.load %arg1[%get3A_2, %get3A_3] : memref<1024x256xf32, #tpu.memory_space<vmem>>, vector<1024x128xf32>
    %add3A = arith.constant 1.000000e-10 : f32
    %add3A_5 = vector.broadcast %add3A : f32 to vector<1024x128xf32>
    %add3A_6 = arith.addf %get3A_4, %add3A_5 : vector<1024x128xf32>
    %get3A_7 = arith.constant 0 : index
    %get3A_8 = arith.constant 0 : index
    %get3A_9 = vector.load %arg2[%get3A_7, %get3A_8] : memref<1024x256xf32, #tpu.memory_space<vmem>>, vector<1024x128xf32>
    %get3A_10 = arith.constant 0 : index
    %get3A_11 = arith.constant 128 : index
    %get3A_12 = vector.load %arg2[%get3A_10, %get3A_11] : memref<1024x256xf32, #tpu.memory_space<vmem>>, vector<1024x128xf32>
    %add3A_13 = arith.constant 1.000000e-10 : f32
    %add3A_14 = vector.broadcast %add3A_13 : f32 to vector<1024x128xf32>
    %add3A_15 = arith.addf %get3A_12, %add3A_14 : vector<1024x128xf32>
    %log3A = math.log %add3A_15 : vector<1024x128xf32>
    %mul3A = arith.constant 2.000000e+00 : f32
    %mul3A_16 = vector.broadcast %mul3A : f32 to vector<1024x128xf32>
    %mul3A_17 = arith.mulf %mul3A_16, %log3A : vector<1024x128xf32>
    %log3A_18 = math.log %add3A_6 : vector<1024x128xf32>
    %mul3A_19 = arith.constant 2.000000e+00 : f32
    %mul3A_20 = vector.broadcast %mul3A_19 : f32 to vector<1024x128xf32>
    %mul3A_21 = arith.mulf %mul3A_20, %log3A_18 : vector<1024x128xf32>
    %sub3A = arith.subf %mul3A_17, %mul3A_21 : vector<1024x128xf32>
    %mul3A_22 = arith.mulf %add3A_6, %add3A_6 : vector<1024x128xf32>
    %sub3A_23 = arith.subf %get3A_1, %get3A_9 : vector<1024x128xf32>
    %integer_pow3A = arith.mulf %sub3A_23, %sub3A_23 : vector<1024x128xf32>
    %add3A_24 = arith.addf %mul3A_22, %integer_pow3A : vector<1024x128xf32>
    %mul3A_25 = arith.mulf %add3A_15, %add3A_15 : vector<1024x128xf32>
    %div3A = arith.divf %add3A_24, %mul3A_25 : vector<1024x128xf32>
    %add3A_26 = arith.addf %sub3A, %div3A : vector<1024x128xf32>
    %sub3A_27 = arith.constant 1.000000e+00 : f32
    %sub3A_28 = vector.broadcast %sub3A_27 : f32 to vector<1024x128xf32>
    %sub3A_29 = arith.subf %add3A_26, %sub3A_28 : vector<1024x128xf32>
    %eq3A = arith.constant 0 : i32
    %eq3A_30 = arith.cmpi eq, %arg0, %eq3A : i32
    %convert_element_type3A = arith.extui %eq3A_30 : i1 to i32
    %cond3A = arith.constant 0 : i32
    %cond3A_31 = arith.cmpi ne, %convert_element_type3A, %cond3A : i32
    scf.if %cond3A_31 {
      %broadcast_in_dim3A_39 = arith.constant 0.000000e+00 : f32
      %broadcast_in_dim3A_40 = vector.broadcast %broadcast_in_dim3A_39 : f32 to vector<1x128xf32>
      %swap3A_41 = arith.constant 0 : index
      %swap3A_42 = arith.constant 0 : index
      %swap3A_43 = vector.load %arg3[%swap3A_41, %swap3A_42] : memref<1x128xf32, #tpu.memory_space<vmem>>, vector<1x128xf32>
      tpu.vector_store %arg3[%swap3A_41, %swap3A_42], %broadcast_in_dim3A_40 {strides = array<i32>} : memref<1x128xf32, #tpu.memory_space<vmem>>, vector<1x128xf32>,
    } else {
    }
    %get3A_32 = arith.constant 0 : index
    %get3A_33 = arith.constant 0 : index
    %get3A_34 = vector.load %arg3[%get3A_32, %get3A_33] : memref<1x128xf32, #tpu.memory_space<vmem>>, vector<1x128xf32>
    %reduce_sum3A = arith.constant dense<0.000000e+00> : vector<128xf32>
    %reduce_sum3A_35 = vector.multi_reduction <add>, %sub3A_29, %reduce_sum3A [0] : vector<1024x128xf32> to vector<128xf32>
    %broadcast_in_dim3A = vector.shape_cast %reduce_sum3A_35 : vector<128xf32> to vector<1x128xf32>
    %add3A_36 = arith.addf %get3A_34, %broadcast_in_dim3A : vector<1x128xf32>
    %swap3A = arith.constant 0 : index
    %swap3A_37 = arith.constant 0 : index
    %swap3A_38 = vector.load %arg3[%swap3A, %swap3A_37] : memref<1x128xf32, #tpu.memory_space<vmem>>, vector<1x128xf32>
    tpu.vector_store %arg3[%swap3A, %swap3A_37], %add3A_36 {strides = array<i32>} : memref<1x128xf32, #tpu.memory_space<vmem>>, vector<1x128xf32>,
    return
  }
  func.func @transform_0(%arg0: i32) -> (i32, i32) {
    %c0_i32 = arith.constant 0 : i32
    %c0_i32_0 = arith.constant 0 : i32
    return %arg0, %c0_i32 : i32, i32
  }
  func.func @transform_1(%arg0: i32) -> (i32, i32) {
    %c0_i32 = arith.constant 0 : i32
    %c0_i32_0 = arith.constant 0 : i32
    return %arg0, %c0_i32 : i32, i32
  }
  func.func @transform_2(%arg0: i32) -> (i32, i32) {
    %c0_i32 = arith.constant 0 : i32
    %c0_i32_0 = arith.constant 0 : i32
    %c0_i32_1 = arith.constant 0 : i32
    return %c0_i32, %c0_i32_0 : i32, i32
  }
}

</mosaic_0001>

<sc_bundles>
// kernel: scatter_offload_async_start.1
scs
__scs_entry_jumppad:
0x0: {  	(pc) =	sbr.rel $0x88, $3  }
0x1: {  	(tag) =	ssettag $0x0;
	lr =	simm.s32 $0x1  }
0x2: {  	[smem:$0x3F7E] =	sst lr;
	_ =	strace $0xD0000000  }
0x3: {  	_ = 	snop  }
0x4: {  	_ = 	snop  }
0x5: {  	_ = 	snop  }
0x6: {  	_ = 	snop  }
0x7: {  	_ = 	snop  }
__scs_overlays_trampoline_lowered:
0x8: {  	[smem:$0x3F8D] =	sst s0  }
0x9: {  	[smem:$0x3F8E] =	sst s1  }
0xa: {  	[smem:$0x3F8F] =	sst s2  }
0xb: {  	[smem:$0x3F90] =	sst s3  }
0xc: {  	[smem:$0x3F91] =	sst s4  }
0xd: {  	[smem:$0x3F92] =	sst s5  }
0xe: {  	[smem:$0x3F93] =	sst s6  }
0xf: {  	[smem:$0x3F94] =	sst s7  }
0x10: {  	[smem:$0x3F95] =	sst s8  }
0x11: {  	[smem:$0x3F96] =	sst s9;
	s0 =	simm.s32 @!p0 $0x0  }
0x12: {  	s1 =	sld [smem:$0x3F7C];
	s0 =	simm.s32 @p0 $0x1  }
0x13: {  	[smem:$0x3F97] =	sst s0;
	s0 =	simm.s32 @!p1 $0x0  }
0x14: {  	s2 =	sld [smem:$0x3F7B];
	s0 =	simm.s32 @p1 $0x1  }
0x15: {  	[smem:$0x3F98] =	sst s0;
	s0 =	simm.s32 @!p2 $0x0  }
0x16: {  	s3 =	sld [smem:$0x3FDB];
	s0 =	simm.s32 @p2 $0x1  }
0x17: {  	s4 =	simm.s32 $0x1BF5;
	[smem:$0x3F9A] =	sst s0  }
0x18: {  	s0 =	sld [smem:$0x3F7D];
	_ =	swait.ge [sflag:s4], $0x0  }
0x19: {  	s7 =	sld [smem:$0x3F7E]  }
0x1a: {  	s8 =	sadd.s32 $0xFFFFE003, lr  }
0x1b: {  	s9 =	sadd.s32 $0xFFFFFEF7, lr;
	s5 =	simm.s32 $0xFFFFFFFF;
	p2 =	slt.u32 s8, $0xFFFFF086  }
0x1c: {  	p1 =	slt.u32 s9, $0xF7A;
	s5 =	simm.s32 @!p2 $0x0  }
0x1d: {  	s5 =	simm.s32 @p1 $0x1;
	p0 =	seq.s32 s7, s2  }
0x1e: {  	s7 =	smul.u32 @!p0 $0xF7A, s2;
	p2 =	seq.s32 @!p0 s5, $0x0  }
0x1f: {  	s9 =	smul.u32 $0xF7A, s1;
	s8 =	simm.s32 @!p0 $0x1BF5;
	p2 =	por !p2, p0  }
0x20: {  	[sflag:s8] =	ssyncset.s32 @!p0 $0xFFFFF086;
	s6 =	sadd.s32 @!p0 s3, s7;
	s7 =	simm.s32 @!p0 $0x108  }
0x21: {  	s3 =	sadd.s32 s3, s9;
	s6 =	sadd.s32 @!p0 $0x88, s6;
	s7 =	simm.s32 @p2 $0x1082  }
0x22: {  	[simem:s7], [sflag:s8] =	dma.local @!p0 [hbm:s6], $0xF7A  }
0x23: {  	s9 =	sor.u32 $0xD0000000, s2;
	s6 =	simm.s32 $0x108;
	_ =	swait.ge @!p0 [sflag:s8], $0x0  }
0x24: {  	s3 =	sadd.s32 $0x88, s3;
	s6 =	simm.s32 @!p1 $0x1082;
	[sflag:s4] =	ssyncset.s32 $0xFFFFF086  }
0x25: {  	[simem:s6], [sflag:s4] =	dma.local [hbm:s3], $0xF7A  }
0x26: {  	[smem:$0x3F7E] =	sst s1;
	(tag) =	ssettag s2;
	_ =	strace s9  }
0x27: {  	s1 =	sld [smem:$0x3F8E]  }
0x28: {  	s2 =	sld [smem:$0x3F8F]  }
0x29: {  	s4 =	sld [smem:$0x3F91]  }
0x2a: {  	p0 =	seq.s32 s5, $0x0;
	s5 =	sld [smem:$0x3F92]  }
0x2b: {  	s6 =	sld [smem:$0x3F93]  }
0x2c: {  	s7 =	sld [smem:$0x3F94]  }
0x2d: {  	s3 =	simm.s32 $0x108;
	s8 =	sld [smem:$0x3F95]  }
0x2e: {  	s3 =	simm.s32 @!p0 $0x1082;
	s9 =	sld [smem:$0x3F96]  }
0x2f: {  	lr =	sadd.s32 s0, s3;
	s0 =	sld [smem:$0x3F8D]  }
0x30: {  	s3 =	sld [smem:$0x3F90]  }
0x31: {  	[smem:$0x3F99] =	sst s10  }
0x32: {  	s10 =	sld [smem:$0x3F97];
	_ =	sdelay $0x3  }
0x33: {  	p0 =	seq.s32 s10, $0x1;
	s10 =	sld [smem:$0x3F99];
	_ =	sdelay $0x3  }
0x34: {  	[smem:$0x3F99] =	sst s10  }
0x35: {  	s10 =	sld [smem:$0x3F98];
	_ =	sdelay $0x3  }
0x36: {  	p1 =	seq.s32 s10, $0x1;
	s10 =	sld [smem:$0x3F99];
	_ =	sdelay $0x3  }
0x37: {  	[smem:$0x3F99] =	sst s10  }
0x38: {  	s10 =	sld [smem:$0x3F9A]  }
0x39: {  	_ = 	snop;
	(pc) =	sbr.ind lr, $3  }
0x3a: {  	_ = 	snop  }
0x3b: {  	_ = 	snop  }
0x3c: {  	p2 =	seq.s32 s10, $0x1;
	s10 =	sld [smem:$0x3F99]  }
0x3d: {  	_ =	shalt  }
0x3e: {  	_ =	shalt  }
0x3f: {  	_ =	shalt  }
0x40: {  	_ =	shalt  }
0x41: {  	_ =	shalt  }
0x42: {  	_ =	shalt  }
0x43: {  	_ =	shalt  }
0x44: {  	_ =	shalt  }
0x45: {  	_ =	shalt  }
0x46: {  	_ =	shalt  }
0x47: {  	_ =	shalt  }
0x48: {  	_ =	shalt  }
0x49: {  	_ =	shalt  }
0x4a: {  	_ =	shalt  }
0x4b: {  	_ =	shalt  }
0x4c: {  	_ =	shalt  }
0x4d: {  	_ =	shalt  }
0x4e: {  	_ =	shalt  }
0x4f: {  	_ =	shalt  }
0x50: {  	_ =	shalt  }
0x51: {  	_ =	shalt  }
0x52: {  	_ =	shalt  }
0x53: {  	_ =	shalt  }
0x54: {  	_ =	shalt  }
0x55: {  	_ =	shalt  }
0x56: {  	_ =	shalt  }
0x57: {  	_ =	shalt  }
0x58: {  	_ =	shalt  }
0x59: {  	_ =	shalt  }
0x5a: {  	_ =	shalt  }
0x5b: {  	_ =	shalt  }
0x5c: {  	_ =	shalt  }
0x5d: {  	_ =	shalt  }
0x5e: {  	_ =	shalt  }
0x5f: {  	_ =	shalt  }
0x60: {  	_ =	shalt  }
0x61: {  	_ =	shalt  }
0x62: {  	_ =	shalt  }
0x63: {  	_ =	shalt  }
0x64: {  	_ =	shalt  }
0x65: {  	_ =	shalt  }
0x66: {  	_ =	shalt  }
0x67: {  	_ =	shalt  }
0x68: {  	_ =	shalt  }
0x69: {  	_ =	shalt  }
0x6a: {  	_ =	shalt  }
0x6b: {  	_ =	shalt  }
0x6c: {  	_ =	shalt  }
0x6d: {  	_ =	shalt  }
0x6e: {  	_ =	shalt  }
0x6f: {  	_ =	shalt  }
0x70: {  	_ =	shalt  }
0x71: {  	_ =	shalt  }
0x72: {  	_ =	shalt  }
0x73: {  	_ =	shalt  }
0x74: {  	_ =	shalt  }
0x75: {  	_ =	shalt  }
0x76: {  	_ =	shalt  }
0x77: {  	_ =	shalt  }
0x78: {  	_ =	shalt  }
0x79: {  	_ =	shalt  }
0x7a: {  	_ =	shalt  }
0x7b: {  	_ =	shalt  }
0x7c: {  	_ =	shalt  }
0x7d: {  	_ =	shalt  }
0x7e: {  	_ =	shalt  }
0x7f: {  	_ =	shalt  }
0x80: {  	_ =	shalt  }
0x81: {  	_ =	shalt  }
0x82: {  	_ =	shalt  }
0x83: {  	_ =	shalt  }
0x84: {  	_ =	shalt  }
0x85: {  	_ =	shalt  }
0x86: {  	_ =	shalt  }
0x87: {  	_ =	shalt  }
.Lfunc_end0:
.L_simem_size_0:
called_computation.1_lowered:
.L_overlay_start_0:
0x88: {  	s0 =	sld [smem:$0x3FD9]  }
0x89: {  	s1 =	sld [smem:$0x3FFE];
	_ =	sdelay $0x3  }
0x8a: {  	s0 =	sadd.s32 s1, s0  }
0x8b: {  	[smem:$0x3FA5] =	sst s0  }
0x8c: {  	_ = 	snop  }
0x8d: {  	s0 =	sld [smem:$0x3FD0];
	_ =	sdelay $0x2  }
0x8e: {  	s12 =	simm.s32 $0xD;
	s2 =	simm.s32 $0x10  }
0x8f: {  	[smem:s2], [sflag:s12] =	dma.local [hbm:s0], $0x1  }
0x90: {  	_ =	swait.eq [sflag:s12], $0x1  }
0x91: {  	[sflag:s12] =	ssyncset.done $0x0  }
0x92: {  	[sflag:s12] =	ssyncadd.s32 $0xFFFFFFFF  }
0x93: {  	s13 =	sld [smem:$0x12];
	(tm) =	ssettm $0x1  }
0x94: {  	s14 =	sld [smem:$0x3FFB];
	_ =	sdelay $0x3  }
0x95: {  	_ =	strace s14  }
0x96: {  	s0 =	sld [smem:$0x3FFC];
	_ =	sdelay $0x3  }
0x97: {  	_ =	strace s0  }
0x98: {  	s0 =	sld [smem:$0x3FFD];
	_ =	sdelay $0x3  }
0x99: {  	_ =	strace s0  }
0x9a: {  	_ =	strace $0x8FFFFFFF  }
0x9b: {  	s15 =	sld [smem:$0x3FDB];
	_ =	sdelay $0x1  }
0x9c: {  	s16 =	simm.s32 $_scs_section_size  }
0x9d: {  	s3 =	simm.s32 $_size__tile_overlayer_lowered;
	s4 =	simm.s32 $_tile_overlayer_lowered  }
0x9e: {  	s5 =	simm.s32 $0x1BFF;
	s17 =	sshll.u32 s4, $0x1;
	s2 =	sadd.s32 s16, s15  }
0x9f: {  	s18 =	simm.s32 $0x0;
	s3 =	sshll.u32 s3, $0x1;
	s4 =	sadd.s32 s17, s2  }
0xa0: {  	[timem:s18], [sflag:s5] =	dma.local [hbm:s4], s3  }
0xa1: {  	_ =	swait.ge [sflag:s5], s3  }
0xa2: {  	s3 =	ssub.s32 $0x0, s3;
	[sflag:s5] =	ssyncset.done $0x0  }
0xa3: {  	[sflag:s5] =	ssyncadd.s32 s3;
	_ =	sdelay $0x1  }
0xa4: {  	s19 =	simm.s32 $0x1B8B  }
0xa5: {  	_ =	swait.ge [sflag:s19], $0x1  }
0xa6: {  	[sflag:s19] =	ssyncset.done $0x0  }
0xa7: {  	s21 =	simm.s32 $0x1B8E;
	s20 =	sld [smem:$0x3FFE];
	[sflag:s19] =	ssyncadd.s32 $0xFFFFFFFF  }
0xa8: {  	s22 =	simm.s32 $execute0_lowered;
	[smem:$0x3FD2] =	sst s21  }
0xa9: {  	s4 =	sshll.u32 s22, $0x1;
	_ =	strace $0x8000004C;
	[dreg:$0x1] =	wrdreg $0xFFFFFFFF  }
0xaa: {  	s23 =	simm.s32 $_size_execute0_lowered;
	s4 =	sadd.s32 s2, s4;
	[dreg:$0x0] =	wrdreg $0x0  }
0xab: {  	s5 =	sshll.u32 s23, $0x1;
	[dreg:$0x2] =	wrdreg s4  }
0xac: {  	[dreg:$0x3] =	wrdreg s5  }
0xad: {  	[dreg:$0x4] =	wrdreg $0xC0  }
0xae: {  	s24 =	simm.s32 $execute1_lowered;
	_ =	task [dreg:s18], $0x5FFFF  }
0xaf: {  	s4 =	sshll.u32 s24, $0x1;
	[dreg:$0x1] =	wrdreg $0xFFFFFFFF  }
0xb0: {  	s2 =	sadd.s32 s2, s4;
	[dreg:$0x0] =	wrdreg $0x60  }
0xb1: {  	[dreg:$0x2] =	wrdreg s2  }
0xb2: {  	[dreg:$0x3] =	wrdreg s13  }
0xb3: {  	[dreg:$0x4] =	wrdreg s20  }
0xb4: {  	[dreg:$0x5] =	wrdreg $0xB  }
0xb5: {  	_ =	task.clear_ibuf [dreg:s18], $0x6FFFF;
	_ =	strace $0x9000004C  }
0xb6: {  	s25 =	simm.s32 $0xB;
	_ =	strace $0x8000004E  }
0xb7: {  	_ =	swait.ge [sflag:s25], $0x1  }
0xb8: {  	[sflag:s25] =	ssyncadd.s32 $0xFFFFFFFF  }
0xb9: {  	_ =	strace $0x9000004E  }
0xba: {  	_ =	strace $0x8000004F;
	[dreg:$0x1] =	wrdreg $0xFFFFFFFF  }
0xbb: {  	[dreg:$0x0] =	wrdreg $0x2030  }
0xbc: {  	[dreg:$0x2] =	wrdreg s20  }
0xbd: {  	[dreg:$0x3] =	wrdreg $0xC  }
0xbe: {  	_ =	task.clear_ibuf [dreg:s18], $0x4FFFF;
	_ =	strace $0x9000004F  }
0xbf: {  	s26 =	simm.s32 $0xC;
	_ =	strace $0x80000051  }
0xc0: {  	_ =	swait.ge [sflag:s26], $0x1  }
0xc1: {  	[sflag:s26] =	ssyncadd.s32 $0xFFFFFFFF  }
0xc2: {  	_ =	strace $0x90000051  }
0xc3: {  	_ =	sfence  }
0xc4: {  	s28 =	sld [smem:$0x0];
	_ =	sdelay $0x1  }
0xc5: {  	s29 =	srdreg.scid  }
0xc6: {  	s30 =	sshll.u32 s29, $0xD;
	s31 =	sshrl.u32 s29, $0x2  }
0xc7: {  	s3 =	sand.u32 $0x4000, s30;
	s2 =	sand.u32 $0x1, s29;
	s1 =	sadd.s32 s31, s28  }
0xc8: {  	s2 =	sor.u32 s3, s2;
	s1 =	sshll.u32 s1, $0x11  }
0xc9: {  	s1 =	sor.u32 s1, s2  }
0xca: {  	s1 =	sadd.s32 $0x8F2B, s1  }
0xcb: {  	[sflag:s1] =	ssyncadd.remote.s32 $0x1  }
0xcc: {  	_ =	sfence.sel $0xFFFF  }
0xcd: {  	[dreg:$0x0] =	wrdreg $0xFFFFFFFF;
	(pc) =	sbr.abs _section_cstart, $3  }
0xce: {  	[dreg:$0x1] =	wrdreg $0xFFFFFFFF  }
0xcf: {  	_ =	task.clear_ibuf [dreg:s18], $0x2FFFF;
	_ =	strace $0x9FFFFFFF  }
0xd0: {  	(tm) =	ssettm $0x7FFFFFFF  }
0xd1: {  	_ =	shalt  }
tec
execute0_lowered:
.L_overlay_start_1:
0x0: {  	(tag) =	ssettag $0x1  }
0x1: {  	s3 =	rddreg [dreg:$0x0]  }
0x2: {  	s2 =	rddreg [dreg:$0x1]  }
0x3: {  	s6 =	rddreg [dreg:$0x2]  }
0x4: {  	s0 =	rddreg [dreg:$0x3];
	s4 =	stileid.u32  }
0x5: {  	[bflag:$0x3] =	sbarrier.arrive $0xFFFF;
	s1 =	simm.s32 $_size_execute1_lowered;
	p0 =	sne.s32 s4, $0x0  }
0x6: {  	s1 =	sshll.u32 s1, $0x1;
	s5 =	simm.s32 @!p0 $0x1C3F;
	s7 =	simm.s32 @!p0 $0x4060  }
0x7: {  	[timem:s7], [sflag:s5] =	dma.local @!p0 [hbm:s3], s1  }
0x8: {  	s8 =	simm.s32 $0x2;
	s3 =	sshll.u32 s4, $0xE  }
0x9: {  	s10 =	simm.s32 $0x0;
	s9 =	simm.s32 $0x0;
	s30 =	ssub.s32 $0x1000000, s3  }
.Ltmp0:
0xa: {  	s7 =	simm.s32 $0x1;
	s31 =	sand.u32 $0x3C000, s30;
	(pc) =	sbr.rel .LBB2_1-.Ltmp0, $4  }
0xb: {  	s4 =	simm.s32 $0x1;
	_ =	strace $0x8000004D;
	p1 =	sne.s32 s31, $0x0  }
0xc: {  	s5 =	sshrl.u32 s30, $0x12;
	[sflag:s4] =	ssyncpa.u1 $0x0;
	s7 =	simm.s32 @!p1 $0x0  }
0xd: {  	s6 =	sadd.s32 $0x28EA00, s6;
	[sflag:s8] =	ssyncpa.u1 $0x0;
	s5 =	sadd.s32 s7, s5  }
0xe: {  	s8 =	smov.u32 s3;
	p1 =	por $0x0, $0x0;
	s7 =	sadd.s32 $0x1, s5  }
.LBB2_4:
0xf: {  	[tilespmem:s11+$0xB0] =	vst v0  }
0x10: {  	[tilespmem:s11+$0xC0] =	vst v1  }
0x11: {  	[tilespmem:s11+$0xD0] =	vst v2  }
0x12: {  	[tilespmem:s11+$0xE0] =	vst v3;
	s13 =	sshrl.u32 s10, $0x3  }
0x13: {  	[tilespmem:s11+$0xFFFFFF00] =	vst v4;
	s31 =	sand.u32 $0x7, s10;
	s30 =	sadd.s32 s6, s13  }
0x14: {  	[hbm4b:s30+s31] =	stream.linear.scatter [tilespmem:s12], [sflag:$0x2], $0x4000, $0x38;
	[tilespmem:$0x10000] =	vst v63  }
.LBB2_5:
0x15: {  	s12 =	sadd.s32 $0x40000, s8  }
0x16: {  	p3 =	sgt.s32 s12, $0xFFFFFF  }
0x17: {  	s12 =	smov.u32 @p3 s3;
	p3 =	sne.s32 s9, s7  }
.Ltmp1:
0x18: {  	p2 =	slt.u32 s9, $0x2;
	(pc) =	sbr.rel @!p3 .LBB2_6-.Ltmp1, $4  }
0x19: {  	s11 =	simm.s32 @!p2 $0x2  }
0x1a: {  	s13 =	sadd.s32 $0x1, s9;
	_ =	swait.ge @!p2 [sflag:s11], $0x4000  }
0x1b: {  	s10 =	smov.u32 s8;
	p1 =	por !p1, !p1;
	[sflag:s11] =	ssyncset.done @!p2 $0x0  }
0x1c: {  	s9 =	smov.u32 s13;
	s8 =	smov.u32 s12;
	[sflag:s11] =	ssyncadd.s32 @!p2 $0xFFFFC000  }
.LBB2_1:
0x1d: {  	p2 =	sge.u32 s9, s5  }
0x1e: {  	s11 =	sxor.u32 @!p2 $0xFFFFFFFF, s9  }
0x1f: {  	s31 =	sadd.s32 $0xFFFFFFFF, s9;
	s12 =	sshrl.u32 @!p2 s8, $0x3;
	s11 =	sshll.u32 @!p2 s11, $0xE  }
0x20: {  	s13 =	sand.u32 @!p2 $0x7, s8;
	s12 =	sadd.s32 @!p2 s2, s12;
	s11 =	sand.u32 @!p2 $0x4000, s11  }
0x21: {  	[tilespmem:s11], [sflag:$0x1] =	stream.linear.gather @!p2 [hbm4b:s12+s13], $0x4000, $0x38;
	[tilespmem:$0x10000] =	vst v63  }
0x22: {  	p2 =	sge.u32 s31, s5  }
.Ltmp2:
0x23: {  	_ = 	snop;
	(pc) =	sbr.rel @p2 .LBB2_5-.Ltmp2, $1  }
0x24: {  	_ =	sdelay $0x3  }
0x25: {  	s11 =	simm.s32 $0x1  }
0x26: {  	_ =	swait.ge [sflag:s4], $0x4000;
	s11 =	simm.s32 @!p1 $0x0  }
0x27: {  	[sflag:s4] =	ssyncset.done $0x0;
	s11 =	sshll.u32 s11, $0xE  }
0x28: {  	[sflag:s4] =	ssyncadd.s32 $0xFFFFC000;
	s14 =	sor.u32 $0x100, s11  }
0x29: {  	v0 =	vld [tilespmem:s14+$0xF0]  }
0x2a: {  	v1 =	vld [tilespmem:s14+$0xFFFFFF10]  }
0x2b: {  	v2 =	vld [tilespmem:s14+$0xFFFFFF20]  }
0x2c: {  	v3 =	vld [tilespmem:s14+$0xFFFFFF30]  }
0x2d: {  	s11 =	sor.u32 $0x8100, s11;
	v4 =	vld [tilespmem:s14+$0xFFFFFF40]  }
0x2e: {  	v5 =	vld [tilespmem:s14+$0xFFFFFF50];
	[tilespmem:s11+$0xF0] =	vst v0  }
0x2f: {  	[tilespmem:s11+$0xFFFFFF10] =	vst v1;
	v0 =	vld [tilespmem:s14+$0xFFFFFF60]  }
0x30: {  	[tilespmem:s11+$0xFFFFFF20] =	vst v2;
	v1 =	vld [tilespmem:s14+$0xFFFFFF70]  }
0x31: {  	[tilespmem:s11+$0xFFFFFF30] =	vst v3;
	v2 =	vld [tilespmem:s14+$0xFFFFFF80]  }
0x32: {  	[tilespmem:s11+$0xFFFFFF40] =	vst v4;
	v3 =	vld [tilespmem:s14+$0xFFFFFF90]  }
0x33: {  	[tilespmem:s11+$0xFFFFFF50] =	vst v5;
	v4 =	vld [tilespmem:s14+$0xFFFFFFA0]  }
0x34: {  	v5 =	vld [tilespmem:s14+$0xA0];
	[tilespmem:s11+$0xFFFFFF60] =	vst v0  }
0x35: {  	v0 =	vld [tilespmem:s14+$0xFFFFFFB0];
	[tilespmem:s11+$0xFFFFFF70] =	vst v1  }
0x36: {  	v1 =	vld [tilespmem:s14+$0xFFFFFFC0];
	[tilespmem:s11+$0xFFFFFF80] =	vst v2  }
0x37: {  	v2 =	vld [tilespmem:s14+$0xFFFFFFD0];
	[tilespmem:s11+$0xFFFFFF90] =	vst v3  }
0x38: {  	v3 =	vld [tilespmem:s14+$0xFFFFFFE0];
	[tilespmem:s11+$0xFFFFFFA0] =	vst v4  }
0x39: {  	v4 =	vld [tilespmem:s14+$0xFFFFFFF0];
	[tilespmem:s11+$0xA0] =	vst v5  }
0x3a: {  	[tilespmem:s11+$0xFFFFFFB0] =	vst v0;
	v0 =	vld [tilespmem:s14+$0x0]  }
0x3b: {  	[tilespmem:s11+$0xFFFFFFC0] =	vst v1;
	v1 =	vld [tilespmem:s14+$0x10]  }
0x3c: {  	[tilespmem:s11+$0xFFFFFFD0] =	vst v2;
	v2 =	vld [tilespmem:s14+$0x20]  }
0x3d: {  	[tilespmem:s11+$0xFFFFFFE0] =	vst v3;
	v3 =	vld [tilespmem:s14+$0x30]  }
0x3e: {  	[tilespmem:s11+$0xFFFFFFF0] =	vst v4;
	v4 =	vld [tilespmem:s14+$0x40]  }
0x3f: {  	[tilespmem:s11+$0x0] =	vst v0;
	v0 =	vld [tilespmem:s14+$0x50]  }
0x40: {  	[tilespmem:s11+$0x10] =	vst v1;
	v1 =	vld [tilespmem:s14+$0x60]  }
0x41: {  	[tilespmem:s11+$0x20] =	vst v2;
	v2 =	vld [tilespmem:s14+$0x70]  }
0x42: {  	[tilespmem:s11+$0x30] =	vst v3;
	v3 =	vld [tilespmem:s14+$0x80]  }
0x43: {  	[tilespmem:s11+$0x40] =	vst v4;
	v4 =	vld [tilespmem:s14+$0x90]  }
0x44: {  	[tilespmem:s11+$0x50] =	vst v0;
	v0 =	vld [tilespmem:s14+$0xB0]  }
0x45: {  	[tilespmem:s11+$0x60] =	vst v1;
	v1 =	vld [tilespmem:s14+$0xC0]  }
0x46: {  	s12 =	sshll.u32 s9, $0xE;
	[tilespmem:s11+$0x70] =	vst v2;
	v2 =	vld [tilespmem:s14+$0xD0]  }
0x47: {  	s12 =	sand.u32 $0x4000, s12;
	[tilespmem:s11+$0x80] =	vst v3;
	v3 =	vld [tilespmem:s14+$0xE0]  }
0x48: {  	s13 =	simm.s32 $0x0;
	s12 =	sor.u32 $0x8000, s12;
	[tilespmem:s11+$0x90] =	vst v4;
	v4 =	vld [tilespmem:s14+$0xFFFFFF00];
	s14 =	sadd.s32 $0x200, s14  }
.LBB2_3:
0x49: {  	v5 =	vld [tilespmem:s14+$0xF0];
	s13 =	sadd.s32 $0x200, s13;
	[tilespmem:s11+$0xB0] =	vst v0  }
0x4a: {  	v0 =	vld [tilespmem:s14+$0xFFFFFF10];
	p2 =	slt.u32 s13, $0x3E00;
	[tilespmem:s11+$0xC0] =	vst v1  }
0x4b: {  	v1 =	vld [tilespmem:s14+$0xFFFFFF20];
	[tilespmem:s11+$0xD0] =	vst v2  }
0x4c: {  	v2 =	vld [tilespmem:s14+$0xFFFFFF30];
	[tilespmem:s11+$0xE0] =	vst v3  }
0x4d: {  	v3 =	vld [tilespmem:s14+$0xFFFFFF40];
	[tilespmem:s11+$0xFFFFFF00] =	vst v4;
	s11 =	sadd.s32 $0x200, s11  }
0x4e: {  	v4 =	vld [tilespmem:s14+$0xFFFFFF50];
	[tilespmem:s11+$0xF0] =	vst v5  }
0x4f: {  	[tilespmem:s11+$0xFFFFFF10] =	vst v0;
	v0 =	vld [tilespmem:s14+$0xFFFFFF60]  }
0x50: {  	[tilespmem:s11+$0xFFFFFF20] =	vst v1;
	v1 =	vld [tilespmem:s14+$0xFFFFFF70]  }
0x51: {  	[tilespmem:s11+$0xFFFFFF30] =	vst v2;
	v2 =	vld [tilespmem:s14+$0xFFFFFF80]  }
0x52: {  	[tilespmem:s11+$0xFFFFFF40] =	vst v3;
	v3 =	vld [tilespmem:s14+$0xFFFFFF90]  }
0x53: {  	[tilespmem:s11+$0xFFFFFF50] =	vst v4;
	v4 =	vld [tilespmem:s14+$0xFFFFFFA0]  }
0x54: {  	[tilespmem:s11+$0xFFFFFF60] =	vst v0;
	v0 =	vld [tilespmem:s14+$0xFFFFFFB0]  }
0x55: {  	[tilespmem:s11+$0xFFFFFF70] =	vst v1;
	v1 =	vld [tilespmem:s14+$0xFFFFFFC0]  }
0x56: {  	[tilespmem:s11+$0xFFFFFF80] =	vst v2;
	v2 =	vld [tilespmem:s14+$0xFFFFFFD0]  }
0x57: {  	[tilespmem:s11+$0xFFFFFF90] =	vst v3;
	v3 =	vld [tilespmem:s14+$0xFFFFFFE0]  }
0x58: {  	[tilespmem:s11+$0xFFFFFFA0] =	vst v4;
	v4 =	vld [tilespmem:s14+$0xFFFFFFF0]  }
0x59: {  	[tilespmem:s11+$0xFFFFFFB0] =	vst v0;
	v0 =	vld [tilespmem:s14+$0x0]  }
0x5a: {  	[tilespmem:s11+$0xFFFFFFC0] =	vst v1;
	v1 =	vld [tilespmem:s14+$0x10]  }
0x5b: {  	[tilespmem:s11+$0xFFFFFFD0] =	vst v2;
	v2 =	vld [tilespmem:s14+$0x20]  }
0x5c: {  	[tilespmem:s11+$0xFFFFFFE0] =	vst v3;
	v3 =	vld [tilespmem:s14+$0x30]  }
0x5d: {  	[tilespmem:s11+$0xFFFFFFF0] =	vst v4;
	v4 =	vld [tilespmem:s14+$0x40]  }
0x5e: {  	[tilespmem:s11+$0x0] =	vst v0;
	v0 =	vld [tilespmem:s14+$0x50]  }
0x5f: {  	[tilespmem:s11+$0x10] =	vst v1;
	v1 =	vld [tilespmem:s14+$0x60]  }
0x60: {  	[tilespmem:s11+$0x20] =	vst v2;
	v2 =	vld [tilespmem:s14+$0x70]  }
0x61: {  	[tilespmem:s11+$0x30] =	vst v3;
	v3 =	vld [tilespmem:s14+$0x80]  }
0x62: {  	[tilespmem:s11+$0x40] =	vst v4;
	v4 =	vld [tilespmem:s14+$0x90]  }
0x63: {  	[tilespmem:s11+$0x50] =	vst v0;
	v5 =	vld [tilespmem:s14+$0xA0]  }
.Ltmp3:
0x64: {  	[tilespmem:s11+$0x60] =	vst v1;
	v0 =	vld [tilespmem:s14+$0xB0];
	(pc) =	sbr.rel @p2 .LBB2_3-.Ltmp3, $4  }
0x65: {  	[tilespmem:s11+$0x70] =	vst v2;
	v1 =	vld [tilespmem:s14+$0xC0]  }
0x66: {  	[tilespmem:s11+$0x80] =	vst v3;
	v2 =	vld [tilespmem:s14+$0xD0]  }
0x67: {  	[tilespmem:s11+$0x90] =	vst v4;
	v3 =	vld [tilespmem:s14+$0xE0]  }
0x68: {  	v4 =	vld [tilespmem:s14+$0xFFFFFF00];
	[tilespmem:s11+$0xA0] =	vst v5;
	s14 =	sadd.s32 $0x200, s14  }
.Ltmp4:
0x69: {  	_ = 	snop;
	(pc) =	sbr.rel .LBB2_4-.Ltmp4, $1  }
0x6a: {  	_ =	sdelay $0x3  }
.LBB2_6:
0x6b: {  	_ =	sfence.sel $0x180000  }
0x6c: {  	s2 =	simm.s32 $0x1;
	[bflag:$0x0] =	sbarrier.arrive $0xFFFF  }
0x6d: {  	s31 =	simm.s32 $0x2;
	[sflag:s2] =	ssyncpa.u1 $0x1  }
0x6e: {  	[sflag:s31] =	ssyncpa.u1 $0x1  }
0x6f: {  	_ =	strace $0x9000004D  }
0x70: {  	s0 =	sadd.s32 @!p0 $0x100000, s0;
	[bflag:$0x2] =	sbarrier.arrive $0xFFFF  }
0x71: {  	[sflag:s0] =	ssyncadd.tile.s32 @!p0 $0x1;
	s0 =	simm.s32 @!p0 $0x3F  }
0x72: {  	_ =	swait.ge @!p0 [sflag:s0], s1  }
0x73: {  	s1 =	ssub.s32 @!p0 $0x0, s1;
	[sflag:s0] =	ssyncset.done @!p0 $0x0  }
0x74: {  	[sflag:s0] =	ssyncadd.s32 @!p0 s1  }
0x75: {  	[bflag:$0x3] =	sbarrier.arrive $0xFFFF  }
0x76: {  	_ =	shalt  }
.Lfunc_end2:
execute1_lowered:
.L_overlay_start_2:
0x77: {  	(tag) =	ssettag $0x2  }
0x78: {  	s0 =	rddreg [dreg:$0x0];
	_ =	strace $0x80000050;
	s3 =	simm.s32 $0x1  }
0x79: {  	v1 =	vimm.s32 $0xFFFFFFFF;
	[sflag:s3] =	ssyncpa.u1 $0x0  }
0x7a: {  	[tilespmem:$0x10] =	vst v1  }
0x7b: {  	v0 =	vimm.f32 $0.0e+00;
	[tilespmem:$0x20] =	vst v1  }
0x7c: {  	[tilespmem:$0x30] =	vst v0  }
0x7d: {  	s2 =	simm.s32 $0x2;
	s6 =	simm.s32 $0x7;
	s26 =	stileid.u32;
	[tilespmem:$0x40] =	vst v0  }
0x7e: {  	s7 =	simm.s32 $0x8;
	s31 =	simm.s32 $0x9;
	s14 =	simm.s32 $0x0;
	[tilespmem:$0x50] =	vst v0  }
0x7f: {  	s15 =	simm.s32 $0x100;
	s18 =	simm.s32 $0x10;
	s19 =	simm.s32 $0x12100;
	[tilespmem:$0x60] =	vst v1  }
0x80: {  	s20 =	simm.s32 $0xF;
	s21 =	simm.s32 $0x50;
	s22 =	simm.s32 $0x80FF;
	[tilespmem:$0x70] =	vst v1  }
0x81: {  	s23 =	simm.s32 $0x20;
	s24 =	simm.s32 $0x30;
	s25 =	simm.s32 $0x100FF;
	[tilespmem:$0x80] =	vst v1  }
0x82: {  	s30 =	simm.s32 $0x0;
	s29 =	simm.s32 $0x0;
	s1 =	sadd.s32 $0x28EA00, s0;
	v1 =	vimm.s32 $0x0;
	[tilespmem:$0xB0] =	vst v0  }
.Ltmp5:
0x83: {  	s4 =	sadd.s32 $0x8000, s0;
	s5 =	sadd.s32 $0xC000, s0;
	[tilespmem:$0x90] =	vst v1;
	(pc) =	sbr.rel .LBB3_1-.Ltmp5, $4  }
0x84: {  	s8 =	sshll.u32 s26, $0xD;
	s10 =	sshll.u32 s26, $0x1;
	[tilespmem:$0xA0] =	vst v1;
	[sflag:s2] =	ssyncpa.u1 $0x0  }
0x85: {  	s12 =	sshllo.u32 s26, $0x1;
	s26 =	simm.s32 $0x80;
	[sflag:s6] =	ssyncpa.u1 $0x0  }
0x86: {  	vm0 =	vmmov $0xffff;
	v2 =	vlaneseq.u32;
	s9 =	sadd.s32 $0x2000, s8;
	s11 =	sor.u32 $0x81, s10;
	[sflag:s7] =	ssyncpa.u1 $0x0  }
0x87: {  	vm1 =	vmxor vm1, vm1;
	vm2 =	vmmov $0x1;
	vm3 =	vcmask $0x3F3C;
	s13 =	sor.u32 $0x80, s10;
	s28 =	smov.u32 s8;
	[sflag:s31] =	ssyncpa.u1 $0x0  }
.LBB3_3:
0x88: {  	s0 =	sshrl.u32 s28, $0x3  }
0x89: {  	s2 =	sand.u32 $0x7, s28;
	s0 =	sadd.s32 s4, s0  }
0x8a: {  	[tilespmem:s15], [sflag:$0x7] =	stream.linear.gather [hbm4b:s0+s2], $0x2000, $0x38;
	[tilespmem:$0x12120] =	vst v63  }
.LBB3_4:
0x8b: {  	s0 =	sadd.s32 $0x2000, s28  }
0x8c: {  	s2 =	smov.u32 s8;
	s29 =	sadd.s32 $0x1, s29;
	p0 =	slt.s32 s0, s9  }
0x8d: {  	s2 =	smov.u32 @p0 s0;
	p0 =	sne.s32 s29, $0x4  }
.Ltmp6:
0x8e: {  	_ = 	snop;
	(pc) =	sbr.rel @!p0 .LBB3_13-.Ltmp6, $2  }
0x8f: {  	_ =	sdelay $0x2  }
0x90: {  	s30 =	smov.u32 s28;
	s28 =	smov.u32 s2  }
.LBB3_1:
0x91: {  	p0 =	sgt.s32 s29, $0x1  }
.Ltmp7:
0x92: {  	_ = 	snop;
	(pc) =	sbr.rel @p0 .LBB3_11-.Ltmp7, $1  }
0x93: {  	_ =	sdelay $0x3  }
0x94: {  	p0 =	seq.s32 s29, $0x0  }
.Ltmp8:
0x95: {  	_ = 	snop;
	(pc) =	sbr.rel @p0 .LBB3_3-.Ltmp8, $1  }
0x96: {  	_ =	sdelay $0x3  }
0x97: {  	_ =	swait.ge [sflag:s6], $0x2000  }
0x98: {  	[sflag:s6] =	ssyncset.done $0x0  }
0x99: {  	[sflag:s6] =	ssyncadd.s32 $0xFFFFE000;
	(ifvalue) =	ssetifvalue $0xFFFFFFFF;
	v3 =	vld.msk [tilespmem:s15+$0x0 ss:$0x1], $0xffff;
	_ =	sdelay $0x4  }
0x9a: {  	v4 =	vperm.xlane v3, v1  }
0x9b: {  	vm4 =	vlt.u32 v3, $0x1000000  }
0x9c: {  	v3 =	vnsel vm4, $0xFFFFFFFE, v3;
	vm4 =	vlt.u32 v4, $0x1000000  }
0x9d: {  	[tilespmem:$0x70] =	vst v3;
	v3 =	vnsel vm4, $0xFFFFFFFE, v4  }
0x9e: {  	s17 =	simm.s32 $0x20F0;
	[tilespmem:$0x80] =	vst v3  }
0x9f: {  	v3 =	vld.msk [tilespmem:s17+$0x0 ss:$0x1], $0xffff;
	_ =	sdelay $0x4  }
0xa0: {  	(xrf1) =	vunique.msk.u32 $0xffff, v3;
	_ =	sdelay $0xd  }
0xa1: {  	v4 =	vimm.s32 $0xFFFFFFFF;
	v5, _, _ =	vpop (xrf1)  }
0xa2: {  	vm5 =	vne.s32 v3, v4;
	vm4 =	veq.s32 v5, v2  }
0xa3: {  	vm6 =	vlt.u32 v3, $0x1000000;
	vm4 =	vmand vm5, vm4  }
0xa4: {  	vm4 =	vmand vm6, vm4  }
0xa5: {  	v4 =	vnsel vm4, $0xFFFFFFFF, v3;
	_ =	sdelay $0x3  }
0xa6: {  	s0 =	simm.s32 $0x80F0;
	(ifvalue) =	ssetifvalue $0xFFFFFFFF  }
0xa7: {  	v3 =	vperm.xlane v3, v1;
	[tilespmem:s0], [sflag:$0x8] =	stream.indirect_vreg.gather [hbm4b:s1+s14], $0x1, v4, vm0, $0x4038;
	v4 =	vnsel vm6, $0xFFFFFFFE, v4;
	[tilespmem:$0x12120] =	vst v63  }
0xa8: {  	s2 =	simm.s32 $0x0;
	s16 =	simm.s32 $0x20E0;
	[tilespmem:s17+$0x0] =	vst v4  }
.LBB3_6:
0xa9: {  	v4 =	vld.msk [tilespmem:s16+$0x0 ss:$0x1], $0xffff;
	s2 =	sadd.s32 $0x10, s2;
	v5 =	vmov v3;
	s17 =	smov.u32 s16  }
0xaa: {  	p0 =	slt.u32 s2, $0x1FF0;
	_ =	sdelay $0x4  }
0xab: {  	v3 =	vperm.xlane v4, v1;
	(xrf1) =	vunique.msk.u32 $0xffff, v4;
	_ =	sdelay $0xd  }
0xac: {  	v6, _, _ =	vpop (xrf1)  }
0xad: {  	vm5 =	vne.s32 v4, v5;
	vm4 =	veq.s32 v6, v2  }
0xae: {  	vm6 =	vlt.u32 v4, $0x1000000;
	vm4 =	vmand vm5, vm4  }
0xaf: {  	vm4 =	vmand vm6, vm4  }
0xb0: {  	v4 =	vnsel vm4, $0xFFFFFFFF, v4  }
.Ltmp9:
0xb1: {  	v5 =	vnsel vm6, $0xFFFFFFFE, v4;
	(pc) =	sbr.rel @p0 .LBB3_6-.Ltmp9, $3  }
0xb2: {  	_ =	sdelay $0x1  }
0xb3: {  	s16 =	sadd.s32 $0xFFFFFFF0, s16;
	s0 =	sadd.s32 $0xFFFFFFF0, s0;
	(ifvalue) =	ssetifvalue $0xFFFFFFFF  }
0xb4: {  	[tilespmem:s0], [sflag:$0x8] =	stream.indirect_vreg.gather [hbm4b:s1+s14], $0x1, v4, vm0, $0x4038;
	[tilespmem:s17+$0x0] =	vst v5  }
.Ltmp10:
0xb5: {  	(pc) =	sbr.rel .LBB3_4-.Ltmp10, $4  }
0xb6: {  	_ = 	snop  }
0xb7: {  	s0 =	sshrl.u32 s30, $0x3  }
0xb8: {  	s2 =	simm.s32 $0xA100;
	s0 =	sadd.s32 s5, s0  }
0xb9: {  	[tilespmem:s2], [sflag:$0x8] =	stream.linear.gather [hbm:s0], $0x2000, $0x38;
	[tilespmem:$0x12120] =	vst v63  }
.LBB3_11:
0xba: {  	p0 =	seq.s32 s29, $0x2  }
.Ltmp11:
0xbb: {  	_ = 	snop;
	(pc) =	sbr.rel @!p0 .LBB3_12-.Ltmp11, $1  }
0xbc: {  	_ =	sdelay $0x3  }
0xbd: {  	_ =	swait.ge [sflag:s7], $0x4000  }
0xbe: {  	[sflag:s7] =	ssyncset.done $0x0  }
0xbf: {  	s0 =	simm.s32 $0x20FF;
	[sflag:s7] =	ssyncadd.s32 $0xFFFFC000  }
0xc0: {  	[spmem:s11] =	stream.linear.scatter [tilespmem:s0], [sflag:$0x1], $0x1, $0x38;
	[tilespmem:$0x12120] =	vst v63  }
0xc1: {  	_ =	swait.ge [sflag:s3], $0x1  }
0xc2: {  	[sflag:s3] =	ssyncset.done $0x0  }
0xc3: {  	[sflag:s3] =	ssyncadd.s32 $0xFFFFFFFF  }
0xc4: {  	v4 =	vld [tilespmem:$0x10]  }
0xc5: {  	v5 =	vld [tilespmem:$0x70]  }
0xc6: {  	v3 =	vld [tilespmem:$0x80];
	_ =	sdelay $0x2  }
0xc7: {  	(v2sf) =	vpush v4, $0x0  }
0xc8: {  	(v2sf) =	vpush v5, $0x0  }
0xc9: {  	(v2sf) =	vpush v3, $0x0;
	_ =	sdelay $0xc  }
0xca: {  	s16 =	spop (v2sf)  }
0xcb: {  	s2 =	spop (v2sf)  }
0xcc: {  	s30 =	spop (v2sf)  }
0xcd: {  	p0 =	seq.s32 s16, s2;
	p1 =	seq.s32 s30, s16  }
0xce: {  	p1 =	por p0, p1  }
0xcf: {  	v4 =	vpsel p1, $0xFFFFFFFF, v4  }
0xd0: {  	[tilespmem:s18+$0x0] =	vst.msk $0x1, v4  }
0xd1: {  	v4 =	vld [tilespmem:$0x30]  }
0xd2: {  	v5 =	vld [tilespmem:$0xA100]  }
0xd3: {  	v6 =	vld [tilespmem:$0x40];
	_ =	sdelay $0x3  }
0xd4: {  	vm4 =	vmmov vm1;
	v5 =	vadd.f32 v5, v4  }
0xd5: {  	vm5 =	vmmov vm2;
	s31 =	simm.s32 $0xA100;
	vm4 =	vmmov @p0 vm2;
	v4 =	vadd.f32 v6, v4  }
0xd6: {  	vm5 =	vmmov @p1 vm1;
	[tilespmem:s31+$0x0] =	vst.msk vm4, v5  }
0xd7: {  	[tilespmem:s19+$0x0] =	vst.msk vm5, v4  }
0xd8: {  	v4 =	vld [tilespmem:$0x80F0];
	_ =	sdelay $0x3  }
0xd9: {  	v5 =	vimm.f32 $0.0e+00  }
0xda: {  	v4 =	vshift.insert v4, v5, s20;
	_ =	sdelay $0x1  }
0xdb: {  	[tilespmem:s21+$0x0] =	vst.msk $0x1, v4  }
0xdc: {  	[tilespmem:s22+$0x0] =	vst.msk $0x1, v5  }
0xdd: {  	v4 =	vld [tilespmem:$0x20F0];
	_ =	sdelay $0x4  }
0xde: {  	v4 =	vshift.insert v4, v1, s20;
	_ =	sdelay $0x1  }
0xdf: {  	[tilespmem:s23+$0x0] =	vst.msk $0x1, v4  }
0xe0: {  	s17 =	simm.s32 $0x100;
	v6 =	vld [tilespmem:s31+$0x0]  }
0xe1: {  	v7 =	vld [tilespmem:s17+$0x0];
	_ =	sdelay $0x3  }
0xe2: {  	v5 =	vadd.f32 v6, v5  }
0xe3: {  	vm4 =	vne.s32 v7, $0xFFFFFFFF  }
0xe4: {  	(xrf2) =	vadd.seg.scan.f32 vm4, v5;
	_ =	sdelay $0x3  }
0xe5: {  	s0 =	simm.s32 $0x6100;
	v5 =	vperm.xlane v4, v1  }
0xe6: {  	v6 =	vld [tilespmem:s0+$0x0]  }
0xe7: {  	vm5 =	veq.s32 v7, v3;
	vm6 =	veq.s32 v7, v5  }
0xe8: {  	vm7 =	vgt.u32 v7, $0xFFFFFFFD;
	vm6 =	vmor vm6, vm5  }
0xe9: {  	vm6 =	vmor vm6, vm7  }
0xea: {  	v9 =	vld [tilespmem:$0xA0];
	v7 =	vsel vm6, $0xFFFFFFFF, v7  }
0xeb: {  	v10 =	vld [tilespmem:$0x90];
	v6 =	vsel vm5, $0x0, v6;
	v8, _, _ =	vpop (xrf2)  }
0xec: {  	v6 =	vadd.f32 v8, v6  }
0xed: {  	s2 =	simm.s32 $0xE100  }
0xee: {  	vm4 =	vmand vm4, vm3;
	[tilespmem:s2+$0x0] =	vst v6;
	(ifvalue) =	ssetifvalue $0xFFFFFFFF  }
0xef: {  	vm6 =	veq.s32 v9, $0x1;
	[hbm4b:s1+s14] =	stream.indirect_vreg.scatter [tilespmem:s2], [sflag:$0x2], $0x1, v7, vm0, $0x4038;
	v7 =	vsel vm4, $0x0, v8;
	[tilespmem:$0x12120] =	vst v63  }
0xf0: {  	s16 =	simm.s32 $0x0;
	s17 =	simm.s32 $0x110;
	vm4 =	vmor vm6, vm5;
	v6 =	vsel vm5, v8, v10;
	v7 =	vshift.insert v7, v0, s20  }
.LBB3_9:
0xf1: {  	v8 =	vld [tilespmem:s17+$0x0];
	s31 =	sadd.s32 $0x10, s31  }
0xf2: {  	s0 =	sadd.s32 $0x10, s0;
	v9 =	vld [tilespmem:s31+$0x0]  }
0xf3: {  	s16 =	sadd.s32 $0x10, s16;
	v10 =	vld [tilespmem:s0+$0x0]  }
0xf4: {  	p0 =	slt.u32 s16, $0x1FF0;
	_ =	sdelay $0x2  }
0xf5: {  	v7 =	vadd.f32 v9, v7  }
0xf6: {  	vm5 =	vne.s32 v8, $0xFFFFFFFF  }
0xf7: {  	vm6 =	vmand vm5, vm3;
	(xrf2) =	vadd.seg.scan.f32 vm5, v7;
	_ =	sdelay $0x5  }
0xf8: {  	vm7 =	veq.s32 v8, v5;
	vm5 =	veq.s32 v8, v3  }
0xf9: {  	vm8 =	vgt.u32 v8, $0xFFFFFFFD;
	vm4 =	vmor vm4, vm5;
	vm7 =	vmor vm7, vm5  }
0xfa: {  	vm7 =	vmor vm7, vm8  }
0xfb: {  	v8 =	vsel vm7, $0xFFFFFFFF, v8  }
.Ltmp12:
0xfc: {  	v7 =	vsel vm5, $0x0, v10;
	v9, _, _ =	vpop (xrf2);
	(pc) =	sbr.rel @p0 .LBB3_9-.Ltmp12, $4  }
0xfd: {  	v6 =	vsel vm5, v9, v6;
	v10 =	vadd.f32 v9, v7;
	v7 =	vsel vm6, $0x0, v9  }
0xfe: {  	s2 =	sadd.s32 $0x10, s2;
	v7 =	vshift.insert v7, v0, s20  }
0xff: {  	s17 =	sadd.s32 $0x10, s17;
	[tilespmem:s2+$0x0] =	vst v10;
	(ifvalue) =	ssetifvalue $0xFFFFFFFF  }
0x100: {  	[hbm4b:s1+s14] =	stream.indirect_vreg.scatter [tilespmem:s2], [sflag:$0x2], $0x1, v8, vm0, $0x4038;
	[tilespmem:$0x12120] =	vst v63  }
0x101: {  	v3 =	vld [tilespmem:$0x100F0];
	_ =	sdelay $0x4  }
0x102: {  	v3 =	vshift.insert v3, v0, s20;
	_ =	sdelay $0x1  }
0x103: {  	[tilespmem:s24+$0x0] =	vst.msk $0x1, v3  }
0x104: {  	v3 =	vsel vm4, $0x1, v1;
	[tilespmem:$0x90] =	vst v6  }
0x105: {  	[tilespmem:$0xA0] =	vst v3  }
0x106: {  	[spmem:s12] =	stream.linear.scatter [tilespmem:s25], [sflag:$0x1], $0x1, $0x38;
	[tilespmem:$0x12120] =	vst v63  }
0x107: {  	v3 =	vmctz.xlane vm4;
	_ =	swait.ge [sflag:s3], $0x1  }
0x108: {  	(v2sf) =	vpush v4, $0x0  }
0x109: {  	(v2sf) =	vpush v3, $0x0;
	_ =	sdelay $0xd  }
0x10a: {  	s0 =	spop (v2sf)  }
0x10b: {  	s2 =	spop (v2sf)  }
0x10c: {  	[sflag:s3] =	ssyncset.done $0x0;
	p0 =	sne.s32 s30, s0;
	p1 =	slt.s32 s2, $0xF  }
0x10d: {  	[sflag:s3] =	ssyncadd.s32 $0xFFFFFFFF;
	v3 =	vimm.s32 @!p0 $0xFFFFFFFF;
	s2 =	simm.s32 @!p1 $0xF  }
0x10e: {  	[tilespmem:$0x80] =	vst @!p0 v3;
	s31 =	sadd.s32 $0x90, s2  }
0x10f: {  	[spmem:s10] =	stream.linear.scatter [tilespmem:s31], [sflag:$0x1], $0x1, $0x38;
	[tilespmem:$0x12120] =	vst v63  }
0x110: {  	_ =	swait.ge [sflag:s3], $0x1  }
0x111: {  	[sflag:s3] =	ssyncset.done $0x0  }
0x112: {  	[sflag:s3] =	ssyncadd.s32 $0xFFFFFFFF  }
0x113: {  	[spmem:s13] =	stream.linear.scatter [tilespmem:s26], [sflag:$0x1], $0x1, $0x38;
	[tilespmem:$0x12120] =	vst v63  }
0x114: {  	_ =	swait.ge [sflag:s3], $0x1  }
0x115: {  	[sflag:s3] =	ssyncset.done $0x0  }
0x116: {  	[sflag:s3] =	ssyncadd.s32 $0xFFFFFFFF;
	(ifvalue) =	ssetifvalue $0xFFFFFFFF;
	v3 =	vld [tilespmem:$0x10];
	_ =	sdelay $0x3  }
.Ltmp13:
0x117: {  	_ = 	snop;
	(pc) =	sbr.rel .LBB3_4-.Ltmp13, $3  }
0x118: {  	_ =	sdelay $0x1  }
0x119: {  	(ifvalue) =	ssetifvalue $0xFFFFFFFF  }
0x11a: {  	[hbm4b:s1+s14] =	stream.indirect_vreg.scatter [tilespmem:s19], [sflag:$0x9], $0x1, v3, vm0, $0x4038;
	[tilespmem:$0x12120] =	vst v63  }
.LBB3_12:
0x11b: {  	s0 =	simm.s32 $0x2  }
0x11c: {  	_ =	swait.ge [sflag:s0], $0x2000  }
0x11d: {  	[sflag:s0] =	ssyncset.done $0x0  }
0x11e: {  	s31 =	simm.s32 $0x9;
	[sflag:s0] =	ssyncadd.s32 $0xFFFFE000  }
0x11f: {  	_ =	swait.ge [sflag:s31], $0x10  }
0x120: {  	[sflag:s31] =	ssyncset.done $0x0  }
0x121: {  	[sflag:s31] =	ssyncadd.s32 $0xFFFFFFF0  }
.LBB3_13:
0x122: {  	_ =	sfence.sel $0x180000  }
0x123: {  	s0 =	simm.s32 $0x7;
	[bflag:$0x0] =	sbarrier.arrive $0xFFFF  }
0x124: {  	s26 =	simm.s32 $0x8;
	[sflag:s0] =	ssyncpa.u1 $0x1  }
0x125: {  	s28 =	simm.s32 $0x9;
	[sflag:s26] =	ssyncpa.u1 $0x1  }
0x126: {  	[sflag:s28] =	ssyncpa.u1 $0x1  }
0x127: {  	_ =	sfence.stream.spmem  }
0x128: {  	s29 =	simm.s32 $0x3;
	[bflag:$0x0] =	sbarrier.arrive $0xFFFF  }
0x129: {  	s30 =	simm.s32 $0x4;
	[sflag:s29] =	ssyncpa.u1 $0x1  }
0x12a: {  	s31 =	simm.s32 $0x3C;
	s2 =	stileid.u32;
	[sflag:s30] =	ssyncpa.u1 $0x1  }
0x12b: {  	p0 =	sne.s32 s2, $0x0;
	[sflag:s31] =	ssyncpa.u1 $0x1  }
0x12c: {  	s0 =	simm.s32 @p0 $0x1;
	_ =	sfence @p0  }
0x12d: {  	[sflag:s0] =	ssyncpa.u1 @p0 $0x1;
	s0 =	simm.s32 @p0 $0x2  }
0x12e: {  	[sflag:s0] =	ssyncpa.u1 @p0 $0x1  }
0x12f: {  	_ =	strace @p0 $0x90000050  }
0x130: {  	[bflag:$0x2] =	sbarrier.arrive @p0 $0xFFFF  }
0x131: {  	_ =	shalt @p0  }
.LBB3_14:
0x132: {  	_ =	sfence.stream.spmem;
	s0 =	simm.s32 $0x5  }
0x133: {  	s2 =	simm.s32 $0x80;
	s3 =	simm.s32 $0xC0;
	[sflag:s0] =	ssyncpa.u1 $0x0  }
0x134: {  	[tilespmem:s3], [sflag:$0x5] =	stream.linear.gather [spmem:s2], $0x20, $0x38;
	[tilespmem:$0x12120] =	vst v63  }
0x135: {  	s2 =	simm.s32 $0x0;
	s3 =	simm.s32 $0xE0  }
0x136: {  	[tilespmem:s3], [sflag:$0x5] =	stream.linear.gather [spmem:s2], $0x20, $0x38;
	[tilespmem:$0x12120] =	vst v63  }
.Ltmp14:
0x137: {  	_ = 	snop;
	(pc) =	sbr.rel .LBB3_15-.Ltmp14, $4  }
0x138: {  	_ =	swait.ge [sflag:s0], $0x40  }
0x139: {  	[sflag:s0] =	ssyncset.done $0x0  }
0x13a: {  	s31 =	simm.s32 $0x6;
	[sflag:s0] =	ssyncadd.s32 $0xFFFFFFC0  }
0x13b: {  	s4 =	simm.s32 $0x0;
	[sflag:s31] =	ssyncpa.u1 $0x0  }
.LBB3_20:
0x13c: {  	p0 =	sgt.u32 s0, $0xFFFFFF  }
0x13d: {  	s5 =	sshrl.u32 @!p0 s0, $0x3  }
0x13e: {  	s0 =	sand.u32 @!p0 $0x7, s0;
	s6 =	simm.s32 @!p0 $0xB0;
	s5 =	sadd.s32 @!p0 s1, s5  }
0x13f: {  	[tilespmem:s6], [sflag:$0x6] =	stream.linear.gather @!p0 [hbm4b:s5+s0], $0x1, $0x38;
	[tilespmem:$0x12120] =	vst v63  }
0x140: {  	s0 =	simm.s32 @!p0 $0x6  }
0x141: {  	_ =	swait.ge @!p0 [sflag:s0], $0x1  }
0x142: {  	[sflag:s0] =	ssyncset.done @!p0 $0x0  }
0x143: {  	[sflag:s0] =	ssyncadd.s32 @!p0 $0xFFFFFFFF  }
0x144: {  	v2 =	vmov @!p0 s4;
	v1 =	vld.msk @!p0 [tilespmem:$0xB0], $0x1;
	_ =	sdelay $0x3  }
0x145: {  	s0 =	simm.s32 @!p0 $0xE0  }
0x146: {  	[tilespmem:v2+s0+$0x0], v1 =	vst.idx.ret.add.f32.msk @!p0 $0x1, v1  }
0x147: {  	[tilespmem:s2+$0xC0] =	vst.msk $0x1, v0  }
0x148: {  	v0 =	vld.msk [tilespmem:s4+$0xE0], $0x1;
	_ =	sdelay $0x4  }
0x149: {  	[tilespmem:s2+$0xE0] =	vst.msk $0x1, v0;
	s2 =	sadd.s32 $0x1, s2  }
.LBB3_22:
0x14a: {  	s4 =	sadd.s32 $0x1, s4  }
0x14b: {  	p0 =	sne.s32 s4, $0x20  }
.Ltmp15:
0x14c: {  	_ = 	snop;
	(pc) =	sbr.rel @!p0 .LBB3_23-.Ltmp15, $1  }
0x14d: {  	_ =	sdelay $0x3  }
.LBB3_15:
0x14e: {  	v0 =	vld.msk [tilespmem:s4+$0xC0], $0x1;
	_ =	sdelay $0x4  }
0x14f: {  	(v2sf) =	vpush v0, $0x0;
	_ =	sdelay $0xe  }
0x150: {  	s0 =	spop (v2sf)  }
0x151: {  	p0 =	seq.s32 s0, $0xFFFFFFFF  }
.Ltmp16:
0x152: {  	_ = 	snop;
	(pc) =	sbr.rel @p0 .LBB3_22-.Ltmp16, $1  }
0x153: {  	_ =	sdelay $0x3  }
0x154: {  	p0 =	slt.s32 s2, $0x1  }
.Ltmp17:
0x155: {  	_ = 	snop;
	(pc) =	sbr.rel @p0 .LBB3_20-.Ltmp17, $1  }
0x156: {  	_ =	sdelay $0x3  }
0x157: {  	s5 =	simm.s32 $0xC0;
	p0 =	por $0x0, $0x0  }
0x158: {  	v1 =	vld.msk @!p0 [tilespmem:s5+$0x0], $0x1;
	_ =	sdelay $0x4  }
0x159: {  	(v2sf) =	vpush @!p0 v1, $0x0;
	_ =	sdelay $0xd  }
0x15a: {  	p2 =	sne.s32 s2, $0x1  }
.Ltmp18:
0x15b: {  	s6 =	spop @!p0 (v2sf);
	(pc) =	sbr.rel @!p2 .LBB3_19-.Ltmp18, $4  }
0x15c: {  	p1 =	seq.s32 @!p0 s0, s6  }
0x15d: {  	s6 =	simm.s32 $0x0;
	p1 =	por !p1, p0  }
0x15e: {  	s8 =	simm.s32 $0xFFFFFFFF;
	s6 =	simm.s32 @p1 $0xFFFFFFFF  }
0x15f: {  	s7 =	simm.s32 $0x1;
	s6 =	smov.u32 @p0 s8  }
.LBB3_18:
0x160: {  	s8 =	smov.u32 s6;
	p0 =	sne.s32 s6, $0xFFFFFFFF  }
0x161: {  	s5 =	sadd.s32 $0x1, s5;
	s6 =	smov.u32 s7;
	s7 =	sadd.s32 $0x1, s7  }
0x162: {  	p1 =	sne.s32 s2, s7;
	v1 =	vld.msk @!p0 [tilespmem:s5+$0x0], $0x1;
	_ =	sdelay $0x4  }
0x163: {  	(v2sf) =	vpush @!p0 v1, $0x0;
	_ =	sdelay $0xe  }
.Ltmp19:
0x164: {  	s9 =	spop @!p0 (v2sf);
	(pc) =	sbr.rel @p1 .LBB3_18-.Ltmp19, $4  }
0x165: {  	p2 =	seq.s32 @!p0 s0, s9  }
0x166: {  	p2 =	por !p2, p0  }
0x167: {  	s6 =	simm.s32 @p2 $0xFFFFFFFF  }
0x168: {  	s6 =	smov.u32 @p0 s8  }
.LBB3_19:
0x169: {  	p0 =	sne.s32 s6, $0xFFFFFFFF  }
.Ltmp20:
0x16a: {  	_ = 	snop;
	(pc) =	sbr.rel @!p0 .LBB3_20-.Ltmp20, $1  }
0x16b: {  	_ =	sdelay $0x3  }
0x16c: {  	v0 =	vld.msk [tilespmem:s4+$0xE0], $0x1;
	v1 =	vmov s6  }
.Ltmp21:
0x16d: {  	_ = 	snop;
	(pc) =	sbr.rel .LBB3_22-.Ltmp21, $2  }
0x16e: {  	_ =	sdelay $0x2  }
0x16f: {  	[tilespmem:v1+s3+$0x0], v0 =	vst.idx.ret.add.f32.msk $0x1, v0  }
.LBB3_23:
0x170: {  	p0 =	slt.s32 s2, $0x1  }
.Ltmp22:
0x171: {  	_ = 	snop;
	(pc) =	sbr.rel @p0 .LBB3_27-.Ltmp22, $3  }
0x172: {  	_ =	sdelay $0x1  }
0x173: {  	s0 =	simm.s32 $0x6  }
0x174: {  	[sflag:s0] =	ssyncpa.u1 $0x1;
	s0 =	simm.s32 $0x0  }
0x175: {  	s3 =	simm.s32 $0xC0  }
0x176: {  	v0 =	vld.msk [tilespmem:s3+$0x0], $0x1;
	_ =	sdelay $0x4  }
0x177: {  	(v2sf) =	vpush v0, $0x0;
	_ =	sdelay $0xe  }
0x178: {  	s2 =	sadd.s32 $0xFFFFFFFF, s2;
	s4 =	spop (v2sf)  }
0x179: {  	p1 =	sne.s32 s2, $0x0;
	p0 =	sgt.u32 s4, $0xFFFFFF  }
.Ltmp23:
0x17a: {  	s5 =	sshrl.u32 @!p0 s4, $0x3;
	(pc) =	sbr.rel @!p1 .LBB3_26-.Ltmp23, $4  }
0x17b: {  	s3 =	simm.s32 $0xE0;
	s4 =	sand.u32 @!p0 $0x7, s4;
	s5 =	sadd.s32 @!p0 s1, s5  }
0x17c: {  	[hbm4b:s5+s4] =	stream.linear.scatter @!p0 [tilespmem:s3], [sflag:$0x5], $0x1, $0x38;
	[tilespmem:$0x12120] =	vst v63  }
0x17d: {  	s5 =	simm.s32 $0x0  }
0x17e: {  	s4 =	simm.s32 $0xC1;
	s5 =	simm.s32 @!p0 $0x4  }
.LBB3_25:
0x17f: {  	v0 =	vld.msk [tilespmem:s4+$0x0], $0x1;
	s2 =	sadd.s32 $0xFFFFFFFF, s2;
	s0 =	sadd.s32 s0, s5  }
0x180: {  	p0 =	sne.s32 s2, $0x0;
	_ =	sdelay $0x3  }
0x181: {  	(v2sf) =	vpush v0, $0x0;
	_ =	sdelay $0xe  }
.Ltmp24:
0x182: {  	s6 =	spop (v2sf);
	(pc) =	sbr.rel @p0 .LBB3_25-.Ltmp24, $4  }
0x183: {  	s5 =	simm.s32 $0x0;
	p1 =	sgt.u32 s6, $0xFFFFFF  }
0x184: {  	s3 =	sadd.s32 $0x1, s3;
	s5 =	simm.s32 @!p1 $0x4;
	s7 =	sshrl.u32 @!p1 s6, $0x3  }
0x185: {  	s4 =	sadd.s32 $0x1, s4;
	s6 =	sand.u32 @!p1 $0x7, s6;
	s7 =	sadd.s32 @!p1 s1, s7  }
0x186: {  	[hbm4b:s7+s6] =	stream.linear.scatter @!p1 [tilespmem:s3], [sflag:$0x5], $0x1, $0x38;
	[tilespmem:$0x12120] =	vst v63  }
.LBB3_26:
0x187: {  	s0 =	sadd.s32 s0, s5  }
0x188: {  	s0 =	sshrl.u32 s0, $0x2  }
.LBB3_27:
0x189: {  	s1 =	simm.s32 $0x5  }
0x18a: {  	_ =	swait.ge [sflag:s1], s0  }
0x18b: {  	s28 =	ssub.s32 $0x0, s0;
	[sflag:s1] =	ssyncset.done $0x0  }
0x18c: {  	[sflag:s1] =	ssyncadd.s32 s28  }
0x18d: {  	[sflag:s1] =	ssyncpa.u1 $0x1  }
0x18e: {  	s29 =	simm.s32 $0x1;
	_ =	sfence  }
0x18f: {  	s30 =	simm.s32 $0x2;
	[sflag:s29] =	ssyncpa.u1 $0x1  }
0x190: {  	[sflag:s30] =	ssyncpa.u1 $0x1  }
0x191: {  	_ =	strace $0x90000050  }
0x192: {  	[bflag:$0x2] =	sbarrier.arrive $0xFFFF  }
0x193: {  	s31 =	rddreg [dreg:$0x1]  }
0x194: {  	s0 =	sadd.s32 $0x100000, s31  }
0x195: {  	[sflag:s0] =	ssyncadd.tile.s32 $0x1;
	_ =	shalt  }
.Lfunc_end3:
_tile_overlayer_lowered:
.L_overlay_start_3:
0x196: {  	(tag) =	ssettag $0x3  }
0x197: {  	s0 =	rddreg [dreg:$0x0];
	s2 =	stileid.u32  }
0x198: {  	s1 =	rddreg [dreg:$0x1];
	p0 =	sne.s32 s2, $0x0  }
0x199: {  	s3 =	rddreg [dreg:$0x2];
	[bflag:$0x3] =	sbarrier.arrive $0xFFFF;
	s2 =	simm.s32 @!p0 $0x1C01  }
0x19a: {  	[timem:s3], [sflag:s2] =	dma.local @!p0 [hbm:s0], s1  }
0x19b: {  	s0 =	simm.s32 @!p0 $0x1  }
0x19c: {  	_ =	swait.ge @!p0 [sflag:s0], s1  }
0x19d: {  	s1 =	ssub.s32 @!p0 $0x0, s1;
	[sflag:s0] =	ssyncset.done @!p0 $0x0  }
0x19e: {  	[sflag:s0] =	ssyncadd.s32 @!p0 s1  }
0x19f: {  	[bflag:$0x3] =	sbarrier.arrive $0xFFFF  }
0x1a0: {  	_ =	shalt  }

// kernel: scatter_offload_async_start
scs
__scs_entry_jumppad:
0x0: {  	(pc) =	sbr.rel $0x88, $3  }
0x1: {  	(tag) =	ssettag $0x0;
	lr =	simm.s32 $0x1  }
0x2: {  	[smem:$0x3F7E] =	sst lr;
	_ =	strace $0xD0000000  }
0x3: {  	_ = 	snop  }
0x4: {  	_ = 	snop  }
0x5: {  	_ = 	snop  }
0x6: {  	_ = 	snop  }
0x7: {  	_ = 	snop  }
__scs_overlays_trampoline_lowered:
0x8: {  	[smem:$0x3F8D] =	sst s0  }
0x9: {  	[smem:$0x3F8E] =	sst s1  }
0xa: {  	[smem:$0x3F8F] =	sst s2  }
0xb: {  	[smem:$0x3F90] =	sst s3  }
0xc: {  	[smem:$0x3F91] =	sst s4  }
0xd: {  	[smem:$0x3F92] =	sst s5  }
0xe: {  	[smem:$0x3F93] =	sst s6  }
0xf: {  	[smem:$0x3F94] =	sst s7  }
0x10: {  	[smem:$0x3F95] =	sst s8  }
0x11: {  	[smem:$0x3F96] =	sst s9;
	s0 =	simm.s32 @!p0 $0x0  }
0x12: {  	s1 =	sld [smem:$0x3F7C];
	s0 =	simm.s32 @p0 $0x1  }
0x13: {  	[smem:$0x3F97] =	sst s0;
	s0 =	simm.s32 @!p1 $0x0  }
0x14: {  	s2 =	sld [smem:$0x3F7B];
	s0 =	simm.s32 @p1 $0x1  }
0x15: {  	[smem:$0x3F98] =	sst s0;
	s0 =	simm.s32 @!p2 $0x0  }
0x16: {  	s3 =	sld [smem:$0x3FDB];
	s0 =	simm.s32 @p2 $0x1  }
0x17: {  	s4 =	simm.s32 $0x1BF5;
	[smem:$0x3F9A] =	sst s0  }
0x18: {  	s0 =	sld [smem:$0x3F7D];
	_ =	swait.ge [sflag:s4], $0x0  }
0x19: {  	s7 =	sld [smem:$0x3F7E]  }
0x1a: {  	s8 =	sadd.s32 $0xFFFFE003, lr  }
0x1b: {  	s9 =	sadd.s32 $0xFFFFFEF7, lr;
	s5 =	simm.s32 $0xFFFFFFFF;
	p2 =	slt.u32 s8, $0xFFFFF086  }
0x1c: {  	p1 =	slt.u32 s9, $0xF7A;
	s5 =	simm.s32 @!p2 $0x0  }
0x1d: {  	s5 =	simm.s32 @p1 $0x1;
	p0 =	seq.s32 s7, s2  }
0x1e: {  	s7 =	smul.u32 @!p0 $0xF7A, s2;
	p2 =	seq.s32 @!p0 s5, $0x0  }
0x1f: {  	s9 =	smul.u32 $0xF7A, s1;
	s8 =	simm.s32 @!p0 $0x1BF5;
	p2 =	por !p2, p0  }
0x20: {  	[sflag:s8] =	ssyncset.s32 @!p0 $0xFFFFF086;
	s6 =	sadd.s32 @!p0 s3, s7;
	s7 =	simm.s32 @!p0 $0x108  }
0x21: {  	s3 =	sadd.s32 s3, s9;
	s6 =	sadd.s32 @!p0 $0x88, s6;
	s7 =	simm.s32 @p2 $0x1082  }
0x22: {  	[simem:s7], [sflag:s8] =	dma.local @!p0 [hbm:s6], $0xF7A  }
0x23: {  	s9 =	sor.u32 $0xD0000000, s2;
	s6 =	simm.s32 $0x108;
	_ =	swait.ge @!p0 [sflag:s8], $0x0  }
0x24: {  	s3 =	sadd.s32 $0x88, s3;
	s6 =	simm.s32 @!p1 $0x1082;
	[sflag:s4] =	ssyncset.s32 $0xFFFFF086  }
0x25: {  	[simem:s6], [sflag:s4] =	dma.local [hbm:s3], $0xF7A  }
0x26: {  	[smem:$0x3F7E] =	sst s1;
	(tag) =	ssettag s2;
	_ =	strace s9  }
0x27: {  	s1 =	sld [smem:$0x3F8E]  }
0x28: {  	s2 =	sld [smem:$0x3F8F]  }
0x29: {  	s4 =	sld [smem:$0x3F91]  }
0x2a: {  	p0 =	seq.s32 s5, $0x0;
	s5 =	sld [smem:$0x3F92]  }
0x2b: {  	s6 =	sld [smem:$0x3F93]  }
0x2c: {  	s7 =	sld [smem:$0x3F94]  }
0x2d: {  	s3 =	simm.s32 $0x108;
	s8 =	sld [smem:$0x3F95]  }
0x2e: {  	s3 =	simm.s32 @!p0 $0x1082;
	s9 =	sld [smem:$0x3F96]  }
0x2f: {  	lr =	sadd.s32 s0, s3;
	s0 =	sld [smem:$0x3F8D]  }
0x30: {  	s3 =	sld [smem:$0x3F90]  }
0x31: {  	[smem:$0x3F99] =	sst s10  }
0x32: {  	s10 =	sld [smem:$0x3F97];
	_ =	sdelay $0x3  }
0x33: {  	p0 =	seq.s32 s10, $0x1;
	s10 =	sld [smem:$0x3F99];
	_ =	sdelay $0x3  }
0x34: {  	[smem:$0x3F99] =	sst s10  }
0x35: {  	s10 =	sld [smem:$0x3F98];
	_ =	sdelay $0x3  }
0x36: {  	p1 =	seq.s32 s10, $0x1;
	s10 =	sld [smem:$0x3F99];
	_ =	sdelay $0x3  }
0x37: {  	[smem:$0x3F99] =	sst s10  }
0x38: {  	s10 =	sld [smem:$0x3F9A]  }
0x39: {  	_ = 	snop;
	(pc) =	sbr.ind lr, $3  }
0x3a: {  	_ = 	snop  }
0x3b: {  	_ = 	snop  }
0x3c: {  	p2 =	seq.s32 s10, $0x1;
	s10 =	sld [smem:$0x3F99]  }
0x3d: {  	_ =	shalt  }
0x3e: {  	_ =	shalt  }
0x3f: {  	_ =	shalt  }
0x40: {  	_ =	shalt  }
0x41: {  	_ =	shalt  }
0x42: {  	_ =	shalt  }
0x43: {  	_ =	shalt  }
0x44: {  	_ =	shalt  }
0x45: {  	_ =	shalt  }
0x46: {  	_ =	shalt  }
0x47: {  	_ =	shalt  }
0x48: {  	_ =	shalt  }
0x49: {  	_ =	shalt  }
0x4a: {  	_ =	shalt  }
0x4b: {  	_ =	shalt  }
0x4c: {  	_ =	shalt  }
0x4d: {  	_ =	shalt  }
0x4e: {  	_ =	shalt  }
0x4f: {  	_ =	shalt  }
0x50: {  	_ =	shalt  }
0x51: {  	_ =	shalt  }
0x52: {  	_ =	shalt  }
0x53: {  	_ =	shalt  }
0x54: {  	_ =	shalt  }
0x55: {  	_ =	shalt  }
0x56: {  	_ =	shalt  }
0x57: {  	_ =	shalt  }
0x58: {  	_ =	shalt  }
0x59: {  	_ =	shalt  }
0x5a: {  	_ =	shalt  }
0x5b: {  	_ =	shalt  }
0x5c: {  	_ =	shalt  }
0x5d: {  	_ =	shalt  }
0x5e: {  	_ =	shalt  }
0x5f: {  	_ =	shalt  }
0x60: {  	_ =	shalt  }
0x61: {  	_ =	shalt  }
0x62: {  	_ =	shalt  }
0x63: {  	_ =	shalt  }
0x64: {  	_ =	shalt  }
0x65: {  	_ =	shalt  }
0x66: {  	_ =	shalt  }
0x67: {  	_ =	shalt  }
0x68: {  	_ =	shalt  }
0x69: {  	_ =	shalt  }
0x6a: {  	_ =	shalt  }
0x6b: {  	_ =	shalt  }
0x6c: {  	_ =	shalt  }
0x6d: {  	_ =	shalt  }
0x6e: {  	_ =	shalt  }
0x6f: {  	_ =	shalt  }
0x70: {  	_ =	shalt  }
0x71: {  	_ =	shalt  }
0x72: {  	_ =	shalt  }
0x73: {  	_ =	shalt  }
0x74: {  	_ =	shalt  }
0x75: {  	_ =	shalt  }
0x76: {  	_ =	shalt  }
0x77: {  	_ =	shalt  }
0x78: {  	_ =	shalt  }
0x79: {  	_ =	shalt  }
0x7a: {  	_ =	shalt  }
0x7b: {  	_ =	shalt  }
0x7c: {  	_ =	shalt  }
0x7d: {  	_ =	shalt  }
0x7e: {  	_ =	shalt  }
0x7f: {  	_ =	shalt  }
0x80: {  	_ =	shalt  }
0x81: {  	_ =	shalt  }
0x82: {  	_ =	shalt  }
0x83: {  	_ =	shalt  }
0x84: {  	_ =	shalt  }
0x85: {  	_ =	shalt  }
0x86: {  	_ =	shalt  }
0x87: {  	_ =	shalt  }
.Lfunc_end0:
.L_simem_size_0:
called_computation_lowered:
.L_overlay_start_0:
0x88: {  	s0 =	sld [smem:$0x3FD9]  }
0x89: {  	s1 =	sld [smem:$0x3FFE];
	_ =	sdelay $0x3  }
0x8a: {  	s0 =	sadd.s32 s1, s0  }
0x8b: {  	[smem:$0x3FA5] =	sst s0  }
0x8c: {  	_ = 	snop  }
0x8d: {  	s0 =	sld [smem:$0x3FD0];
	_ =	sdelay $0x2  }
0x8e: {  	s12 =	simm.s32 $0xD;
	s2 =	simm.s32 $0x10  }
0x8f: {  	[smem:s2], [sflag:s12] =	dma.local [hbm:s0], $0x1  }
0x90: {  	_ =	swait.eq [sflag:s12], $0x1  }
0x91: {  	[sflag:s12] =	ssyncset.done $0x0  }
0x92: {  	[sflag:s12] =	ssyncadd.s32 $0xFFFFFFFF  }
0x93: {  	s13 =	sld [smem:$0x12];
	(tm) =	ssettm $0x1  }
0x94: {  	s14 =	sld [smem:$0x3FFB];
	_ =	sdelay $0x3  }
0x95: {  	_ =	strace s14  }
0x96: {  	s0 =	sld [smem:$0x3FFC];
	_ =	sdelay $0x3  }
0x97: {  	_ =	strace s0  }
0x98: {  	s0 =	sld [smem:$0x3FFD];
	_ =	sdelay $0x3  }
0x99: {  	_ =	strace s0  }
0x9a: {  	_ =	strace $0x8FFFFFFF  }
0x9b: {  	s15 =	sld [smem:$0x3FDB];
	_ =	sdelay $0x1  }
0x9c: {  	s16 =	simm.s32 $_scs_section_size  }
0x9d: {  	s3 =	simm.s32 $_size__tile_overlayer_lowered;
	s4 =	simm.s32 $_tile_overlayer_lowered  }
0x9e: {  	s5 =	simm.s32 $0x1BFF;
	s17 =	sshll.u32 s4, $0x1;
	s2 =	sadd.s32 s16, s15  }
0x9f: {  	s18 =	simm.s32 $0x0;
	s3 =	sshll.u32 s3, $0x1;
	s4 =	sadd.s32 s17, s2  }
0xa0: {  	[timem:s18], [sflag:s5] =	dma.local [hbm:s4], s3  }
0xa1: {  	_ =	swait.ge [sflag:s5], s3  }
0xa2: {  	s3 =	ssub.s32 $0x0, s3;
	[sflag:s5] =	ssyncset.done $0x0  }
0xa3: {  	[sflag:s5] =	ssyncadd.s32 s3;
	_ =	sdelay $0x1  }
0xa4: {  	s19 =	simm.s32 $0x1B8B  }
0xa5: {  	_ =	swait.ge [sflag:s19], $0x1  }
0xa6: {  	[sflag:s19] =	ssyncset.done $0x0  }
0xa7: {  	s21 =	simm.s32 $0x1B8E;
	s20 =	sld [smem:$0x3FFE];
	[sflag:s19] =	ssyncadd.s32 $0xFFFFFFFF  }
0xa8: {  	s22 =	simm.s32 $execute0_lowered;
	[smem:$0x3FD2] =	sst s21  }
0xa9: {  	s4 =	sshll.u32 s22, $0x1;
	_ =	strace $0x80000046;
	[dreg:$0x1] =	wrdreg $0xFFFFFFFF  }
0xaa: {  	s23 =	simm.s32 $_size_execute0_lowered;
	s4 =	sadd.s32 s2, s4;
	[dreg:$0x0] =	wrdreg $0x0  }
0xab: {  	s5 =	sshll.u32 s23, $0x1;
	[dreg:$0x2] =	wrdreg s4  }
0xac: {  	[dreg:$0x3] =	wrdreg s5  }
0xad: {  	[dreg:$0x4] =	wrdreg $0xC0  }
0xae: {  	s24 =	simm.s32 $execute1_lowered;
	_ =	task [dreg:s18], $0x5FFFF  }
0xaf: {  	s4 =	sshll.u32 s24, $0x1;
	[dreg:$0x1] =	wrdreg $0xFFFFFFFF  }
0xb0: {  	s2 =	sadd.s32 s2, s4;
	[dreg:$0x0] =	wrdreg $0x60  }
0xb1: {  	[dreg:$0x2] =	wrdreg s2  }
0xb2: {  	[dreg:$0x3] =	wrdreg s13  }
0xb3: {  	[dreg:$0x4] =	wrdreg s20  }
0xb4: {  	[dreg:$0x5] =	wrdreg $0x9  }
0xb5: {  	_ =	task.clear_ibuf [dreg:s18], $0x6FFFF;
	_ =	strace $0x90000046  }
0xb6: {  	s25 =	simm.s32 $0x9;
	_ =	strace $0x80000048  }
0xb7: {  	_ =	swait.ge [sflag:s25], $0x1  }
0xb8: {  	[sflag:s25] =	ssyncadd.s32 $0xFFFFFFFF  }
0xb9: {  	_ =	strace $0x90000048  }
0xba: {  	_ =	strace $0x80000049;
	[dreg:$0x1] =	wrdreg $0xFFFFFFFF  }
0xbb: {  	[dreg:$0x0] =	wrdreg $0x2030  }
0xbc: {  	[dreg:$0x2] =	wrdreg s20  }
0xbd: {  	[dreg:$0x3] =	wrdreg $0xA  }
0xbe: {  	_ =	task.clear_ibuf [dreg:s18], $0x4FFFF;
	_ =	strace $0x90000049  }
0xbf: {  	s26 =	simm.s32 $0xA;
	_ =	strace $0x8000004B  }
0xc0: {  	_ =	swait.ge [sflag:s26], $0x1  }
0xc1: {  	[sflag:s26] =	ssyncadd.s32 $0xFFFFFFFF  }
0xc2: {  	_ =	strace $0x9000004B  }
0xc3: {  	_ =	sfence  }
0xc4: {  	s28 =	sld [smem:$0x0];
	_ =	sdelay $0x1  }
0xc5: {  	s29 =	srdreg.scid  }
0xc6: {  	s30 =	sshll.u32 s29, $0xD;
	s31 =	sshrl.u32 s29, $0x2  }
0xc7: {  	s3 =	sand.u32 $0x4000, s30;
	s2 =	sand.u32 $0x1, s29;
	s1 =	sadd.s32 s31, s28  }
0xc8: {  	s2 =	sor.u32 s3, s2;
	s1 =	sshll.u32 s1, $0x11  }
0xc9: {  	s1 =	sor.u32 s1, s2  }
0xca: {  	s1 =	sadd.s32 $0x8F2B, s1  }
0xcb: {  	[sflag:s1] =	ssyncadd.remote.s32 $0x1  }
0xcc: {  	_ =	sfence.sel $0xFFFF  }
0xcd: {  	[dreg:$0x0] =	wrdreg $0xFFFFFFFF;
	(pc) =	sbr.abs _section_cstart, $3  }
0xce: {  	[dreg:$0x1] =	wrdreg $0xFFFFFFFF  }
0xcf: {  	_ =	task.clear_ibuf [dreg:s18], $0x2FFFF;
	_ =	strace $0x9FFFFFFF  }
0xd0: {  	(tm) =	ssettm $0x7FFFFFFF  }
0xd1: {  	_ =	shalt  }
tec
execute0_lowered:
.L_overlay_start_1:
0x0: {  	(tag) =	ssettag $0x1  }
0x1: {  	s3 =	rddreg [dreg:$0x0]  }
0x2: {  	s2 =	rddreg [dreg:$0x1]  }
0x3: {  	s6 =	rddreg [dreg:$0x2]  }
0x4: {  	s0 =	rddreg [dreg:$0x3];
	s4 =	stileid.u32  }
0x5: {  	[bflag:$0x3] =	sbarrier.arrive $0xFFFF;
	s1 =	simm.s32 $_size_execute1_lowered;
	p0 =	sne.s32 s4, $0x0  }
0x6: {  	s1 =	sshll.u32 s1, $0x1;
	s5 =	simm.s32 @!p0 $0x1C3F;
	s7 =	simm.s32 @!p0 $0x4060  }
0x7: {  	[timem:s7], [sflag:s5] =	dma.local @!p0 [hbm:s3], s1  }
0x8: {  	s8 =	simm.s32 $0x2;
	s3 =	sshll.u32 s4, $0xE  }
0x9: {  	s10 =	simm.s32 $0x0;
	s9 =	simm.s32 $0x0;
	s30 =	ssub.s32 $0x1000000, s3  }
.Ltmp0:
0xa: {  	s7 =	simm.s32 $0x1;
	s31 =	sand.u32 $0x3C000, s30;
	(pc) =	sbr.rel .LBB2_1-.Ltmp0, $4  }
0xb: {  	s4 =	simm.s32 $0x1;
	_ =	strace $0x80000047;
	p1 =	sne.s32 s31, $0x0  }
0xc: {  	s5 =	sshrl.u32 s30, $0x12;
	[sflag:s4] =	ssyncpa.u1 $0x0;
	s7 =	simm.s32 @!p1 $0x0  }
0xd: {  	s6 =	sadd.s32 $0x59A00, s6;
	[sflag:s8] =	ssyncpa.u1 $0x0;
	s5 =	sadd.s32 s7, s5  }
0xe: {  	s8 =	smov.u32 s3;
	p1 =	por $0x0, $0x0;
	s7 =	sadd.s32 $0x1, s5  }
.LBB2_4:
0xf: {  	[tilespmem:s11+$0xB0] =	vst v0  }
0x10: {  	[tilespmem:s11+$0xC0] =	vst v1  }
0x11: {  	[tilespmem:s11+$0xD0] =	vst v2  }
0x12: {  	[tilespmem:s11+$0xE0] =	vst v3;
	s13 =	sshrl.u32 s10, $0x3  }
0x13: {  	[tilespmem:s11+$0xFFFFFF00] =	vst v4;
	s31 =	sand.u32 $0x7, s10;
	s30 =	sadd.s32 s6, s13  }
0x14: {  	[hbm4b:s30+s31] =	stream.linear.scatter [tilespmem:s12], [sflag:$0x2], $0x4000, $0x38;
	[tilespmem:$0x10000] =	vst v63  }
.LBB2_5:
0x15: {  	s12 =	sadd.s32 $0x40000, s8  }
0x16: {  	p3 =	sgt.s32 s12, $0xFFFFFF  }
0x17: {  	s12 =	smov.u32 @p3 s3;
	p3 =	sne.s32 s9, s7  }
.Ltmp1:
0x18: {  	p2 =	slt.u32 s9, $0x2;
	(pc) =	sbr.rel @!p3 .LBB2_6-.Ltmp1, $4  }
0x19: {  	s11 =	simm.s32 @!p2 $0x2  }
0x1a: {  	s13 =	sadd.s32 $0x1, s9;
	_ =	swait.ge @!p2 [sflag:s11], $0x4000  }
0x1b: {  	s10 =	smov.u32 s8;
	p1 =	por !p1, !p1;
	[sflag:s11] =	ssyncset.done @!p2 $0x0  }
0x1c: {  	s9 =	smov.u32 s13;
	s8 =	smov.u32 s12;
	[sflag:s11] =	ssyncadd.s32 @!p2 $0xFFFFC000  }
.LBB2_1:
0x1d: {  	p2 =	sge.u32 s9, s5  }
0x1e: {  	s11 =	sxor.u32 @!p2 $0xFFFFFFFF, s9  }
0x1f: {  	s31 =	sadd.s32 $0xFFFFFFFF, s9;
	s12 =	sshrl.u32 @!p2 s8, $0x3;
	s11 =	sshll.u32 @!p2 s11, $0xE  }
0x20: {  	s13 =	sand.u32 @!p2 $0x7, s8;
	s12 =	sadd.s32 @!p2 s2, s12;
	s11 =	sand.u32 @!p2 $0x4000, s11  }
0x21: {  	[tilespmem:s11], [sflag:$0x1] =	stream.linear.gather @!p2 [hbm4b:s12+s13], $0x4000, $0x38;
	[tilespmem:$0x10000] =	vst v63  }
0x22: {  	p2 =	sge.u32 s31, s5  }
.Ltmp2:
0x23: {  	_ = 	snop;
	(pc) =	sbr.rel @p2 .LBB2_5-.Ltmp2, $1  }
0x24: {  	_ =	sdelay $0x3  }
0x25: {  	s11 =	simm.s32 $0x1  }
0x26: {  	_ =	swait.ge [sflag:s4], $0x4000;
	s11 =	simm.s32 @!p1 $0x0  }
0x27: {  	[sflag:s4] =	ssyncset.done $0x0;
	s11 =	sshll.u32 s11, $0xE  }
0x28: {  	[sflag:s4] =	ssyncadd.s32 $0xFFFFC000;
	s14 =	sor.u32 $0x100, s11  }
0x29: {  	v0 =	vld [tilespmem:s14+$0xF0]  }
0x2a: {  	v1 =	vld [tilespmem:s14+$0xFFFFFF10]  }
0x2b: {  	v2 =	vld [tilespmem:s14+$0xFFFFFF20]  }
0x2c: {  	v3 =	vld [tilespmem:s14+$0xFFFFFF30]  }
0x2d: {  	s11 =	sor.u32 $0x8100, s11;
	v4 =	vld [tilespmem:s14+$0xFFFFFF40]  }
0x2e: {  	v5 =	vld [tilespmem:s14+$0xFFFFFF50];
	[tilespmem:s11+$0xF0] =	vst v0  }
0x2f: {  	[tilespmem:s11+$0xFFFFFF10] =	vst v1;
	v0 =	vld [tilespmem:s14+$0xFFFFFF60]  }
0x30: {  	[tilespmem:s11+$0xFFFFFF20] =	vst v2;
	v1 =	vld [tilespmem:s14+$0xFFFFFF70]  }
0x31: {  	[tilespmem:s11+$0xFFFFFF30] =	vst v3;
	v2 =	vld [tilespmem:s14+$0xFFFFFF80]  }
0x32: {  	[tilespmem:s11+$0xFFFFFF40] =	vst v4;
	v3 =	vld [tilespmem:s14+$0xFFFFFF90]  }
0x33: {  	[tilespmem:s11+$0xFFFFFF50] =	vst v5;
	v4 =	vld [tilespmem:s14+$0xFFFFFFA0]  }
0x34: {  	v5 =	vld [tilespmem:s14+$0xA0];
	[tilespmem:s11+$0xFFFFFF60] =	vst v0  }
0x35: {  	v0 =	vld [tilespmem:s14+$0xFFFFFFB0];
	[tilespmem:s11+$0xFFFFFF70] =	vst v1  }
0x36: {  	v1 =	vld [tilespmem:s14+$0xFFFFFFC0];
	[tilespmem:s11+$0xFFFFFF80] =	vst v2  }
0x37: {  	v2 =	vld [tilespmem:s14+$0xFFFFFFD0];
	[tilespmem:s11+$0xFFFFFF90] =	vst v3  }
0x38: {  	v3 =	vld [tilespmem:s14+$0xFFFFFFE0];
	[tilespmem:s11+$0xFFFFFFA0] =	vst v4  }
0x39: {  	v4 =	vld [tilespmem:s14+$0xFFFFFFF0];
	[tilespmem:s11+$0xA0] =	vst v5  }
0x3a: {  	[tilespmem:s11+$0xFFFFFFB0] =	vst v0;
	v0 =	vld [tilespmem:s14+$0x0]  }
0x3b: {  	[tilespmem:s11+$0xFFFFFFC0] =	vst v1;
	v1 =	vld [tilespmem:s14+$0x10]  }
0x3c: {  	[tilespmem:s11+$0xFFFFFFD0] =	vst v2;
	v2 =	vld [tilespmem:s14+$0x20]  }
0x3d: {  	[tilespmem:s11+$0xFFFFFFE0] =	vst v3;
	v3 =	vld [tilespmem:s14+$0x30]  }
0x3e: {  	[tilespmem:s11+$0xFFFFFFF0] =	vst v4;
	v4 =	vld [tilespmem:s14+$0x40]  }
0x3f: {  	[tilespmem:s11+$0x0] =	vst v0;
	v0 =	vld [tilespmem:s14+$0x50]  }
0x40: {  	[tilespmem:s11+$0x10] =	vst v1;
	v1 =	vld [tilespmem:s14+$0x60]  }
0x41: {  	[tilespmem:s11+$0x20] =	vst v2;
	v2 =	vld [tilespmem:s14+$0x70]  }
0x42: {  	[tilespmem:s11+$0x30] =	vst v3;
	v3 =	vld [tilespmem:s14+$0x80]  }
0x43: {  	[tilespmem:s11+$0x40] =	vst v4;
	v4 =	vld [tilespmem:s14+$0x90]  }
0x44: {  	[tilespmem:s11+$0x50] =	vst v0;
	v0 =	vld [tilespmem:s14+$0xB0]  }
0x45: {  	[tilespmem:s11+$0x60] =	vst v1;
	v1 =	vld [tilespmem:s14+$0xC0]  }
0x46: {  	s12 =	sshll.u32 s9, $0xE;
	[tilespmem:s11+$0x70] =	vst v2;
	v2 =	vld [tilespmem:s14+$0xD0]  }
0x47: {  	s12 =	sand.u32 $0x4000, s12;
	[tilespmem:s11+$0x80] =	vst v3;
	v3 =	vld [tilespmem:s14+$0xE0]  }
0x48: {  	s13 =	simm.s32 $0x0;
	s12 =	sor.u32 $0x8000, s12;
	[tilespmem:s11+$0x90] =	vst v4;
	v4 =	vld [tilespmem:s14+$0xFFFFFF00];
	s14 =	sadd.s32 $0x200, s14  }
.LBB2_3:
0x49: {  	v5 =	vld [tilespmem:s14+$0xF0];
	s13 =	sadd.s32 $0x200, s13;
	[tilespmem:s11+$0xB0] =	vst v0  }
0x4a: {  	v0 =	vld [tilespmem:s14+$0xFFFFFF10];
	p2 =	slt.u32 s13, $0x3E00;
	[tilespmem:s11+$0xC0] =	vst v1  }
0x4b: {  	v1 =	vld [tilespmem:s14+$0xFFFFFF20];
	[tilespmem:s11+$0xD0] =	vst v2  }
0x4c: {  	v2 =	vld [tilespmem:s14+$0xFFFFFF30];
	[tilespmem:s11+$0xE0] =	vst v3  }
0x4d: {  	v3 =	vld [tilespmem:s14+$0xFFFFFF40];
	[tilespmem:s11+$0xFFFFFF00] =	vst v4;
	s11 =	sadd.s32 $0x200, s11  }
0x4e: {  	v4 =	vld [tilespmem:s14+$0xFFFFFF50];
	[tilespmem:s11+$0xF0] =	vst v5  }
0x4f: {  	[tilespmem:s11+$0xFFFFFF10] =	vst v0;
	v0 =	vld [tilespmem:s14+$0xFFFFFF60]  }
0x50: {  	[tilespmem:s11+$0xFFFFFF20] =	vst v1;
	v1 =	vld [tilespmem:s14+$0xFFFFFF70]  }
0x51: {  	[tilespmem:s11+$0xFFFFFF30] =	vst v2;
	v2 =	vld [tilespmem:s14+$0xFFFFFF80]  }
0x52: {  	[tilespmem:s11+$0xFFFFFF40] =	vst v3;
	v3 =	vld [tilespmem:s14+$0xFFFFFF90]  }
0x53: {  	[tilespmem:s11+$0xFFFFFF50] =	vst v4;
	v4 =	vld [tilespmem:s14+$0xFFFFFFA0]  }
0x54: {  	[tilespmem:s11+$0xFFFFFF60] =	vst v0;
	v0 =	vld [tilespmem:s14+$0xFFFFFFB0]  }
0x55: {  	[tilespmem:s11+$0xFFFFFF70] =	vst v1;
	v1 =	vld [tilespmem:s14+$0xFFFFFFC0]  }
0x56: {  	[tilespmem:s11+$0xFFFFFF80] =	vst v2;
	v2 =	vld [tilespmem:s14+$0xFFFFFFD0]  }
0x57: {  	[tilespmem:s11+$0xFFFFFF90] =	vst v3;
	v3 =	vld [tilespmem:s14+$0xFFFFFFE0]  }
0x58: {  	[tilespmem:s11+$0xFFFFFFA0] =	vst v4;
	v4 =	vld [tilespmem:s14+$0xFFFFFFF0]  }
0x59: {  	[tilespmem:s11+$0xFFFFFFB0] =	vst v0;
	v0 =	vld [tilespmem:s14+$0x0]  }
0x5a: {  	[tilespmem:s11+$0xFFFFFFC0] =	vst v1;
	v1 =	vld [tilespmem:s14+$0x10]  }
0x5b: {  	[tilespmem:s11+$0xFFFFFFD0] =	vst v2;
	v2 =	vld [tilespmem:s14+$0x20]  }
0x5c: {  	[tilespmem:s11+$0xFFFFFFE0] =	vst v3;
	v3 =	vld [tilespmem:s14+$0x30]  }
0x5d: {  	[tilespmem:s11+$0xFFFFFFF0] =	vst v4;
	v4 =	vld [tilespmem:s14+$0x40]  }
0x5e: {  	[tilespmem:s11+$0x0] =	vst v0;
	v0 =	vld [tilespmem:s14+$0x50]  }
0x5f: {  	[tilespmem:s11+$0x10] =	vst v1;
	v1 =	vld [tilespmem:s14+$0x60]  }
0x60: {  	[tilespmem:s11+$0x20] =	vst v2;
	v2 =	vld [tilespmem:s14+$0x70]  }
0x61: {  	[tilespmem:s11+$0x30] =	vst v3;
	v3 =	vld [tilespmem:s14+$0x80]  }
0x62: {  	[tilespmem:s11+$0x40] =	vst v4;
	v4 =	vld [tilespmem:s14+$0x90]  }
0x63: {  	[tilespmem:s11+$0x50] =	vst v0;
	v5 =	vld [tilespmem:s14+$0xA0]  }
.Ltmp3:
0x64: {  	[tilespmem:s11+$0x60] =	vst v1;
	v0 =	vld [tilespmem:s14+$0xB0];
	(pc) =	sbr.rel @p2 .LBB2_3-.Ltmp3, $4  }
0x65: {  	[tilespmem:s11+$0x70] =	vst v2;
	v1 =	vld [tilespmem:s14+$0xC0]  }
0x66: {  	[tilespmem:s11+$0x80] =	vst v3;
	v2 =	vld [tilespmem:s14+$0xD0]  }
0x67: {  	[tilespmem:s11+$0x90] =	vst v4;
	v3 =	vld [tilespmem:s14+$0xE0]  }
0x68: {  	v4 =	vld [tilespmem:s14+$0xFFFFFF00];
	[tilespmem:s11+$0xA0] =	vst v5;
	s14 =	sadd.s32 $0x200, s14  }
.Ltmp4:
0x69: {  	_ = 	snop;
	(pc) =	sbr.rel .LBB2_4-.Ltmp4, $1  }
0x6a: {  	_ =	sdelay $0x3  }
.LBB2_6:
0x6b: {  	_ =	sfence.sel $0x180000  }
0x6c: {  	s2 =	simm.s32 $0x1;
	[bflag:$0x0] =	sbarrier.arrive $0xFFFF  }
0x6d: {  	s31 =	simm.s32 $0x2;
	[sflag:s2] =	ssyncpa.u1 $0x1  }
0x6e: {  	[sflag:s31] =	ssyncpa.u1 $0x1  }
0x6f: {  	_ =	strace $0x90000047  }
0x70: {  	s0 =	sadd.s32 @!p0 $0x100000, s0;
	[bflag:$0x2] =	sbarrier.arrive $0xFFFF  }
0x71: {  	[sflag:s0] =	ssyncadd.tile.s32 @!p0 $0x1;
	s0 =	simm.s32 @!p0 $0x3F  }
0x72: {  	_ =	swait.ge @!p0 [sflag:s0], s1  }
0x73: {  	s1 =	ssub.s32 @!p0 $0x0, s1;
	[sflag:s0] =	ssyncset.done @!p0 $0x0  }
0x74: {  	[sflag:s0] =	ssyncadd.s32 @!p0 s1  }
0x75: {  	[bflag:$0x3] =	sbarrier.arrive $0xFFFF  }
0x76: {  	_ =	shalt  }
.Lfunc_end2:
execute1_lowered:
.L_overlay_start_2:
0x77: {  	(tag) =	ssettag $0x2  }
0x78: {  	s0 =	rddreg [dreg:$0x0];
	_ =	strace $0x8000004A;
	s3 =	simm.s32 $0x1  }
0x79: {  	v1 =	vimm.s32 $0xFFFFFFFF;
	[sflag:s3] =	ssyncpa.u1 $0x0  }
0x7a: {  	[tilespmem:$0x10] =	vst v1  }
0x7b: {  	v0 =	vimm.f32 $0.0e+00;
	[tilespmem:$0x20] =	vst v1  }
0x7c: {  	[tilespmem:$0x30] =	vst v0  }
0x7d: {  	s2 =	simm.s32 $0x2;
	s6 =	simm.s32 $0x7;
	s26 =	stileid.u32;
	[tilespmem:$0x40] =	vst v0  }
0x7e: {  	s7 =	simm.s32 $0x8;
	s31 =	simm.s32 $0x9;
	s14 =	simm.s32 $0x0;
	[tilespmem:$0x50] =	vst v0  }
0x7f: {  	s15 =	simm.s32 $0x100;
	s18 =	simm.s32 $0x10;
	s19 =	simm.s32 $0x12100;
	[tilespmem:$0x60] =	vst v1  }
0x80: {  	s20 =	simm.s32 $0xF;
	s21 =	simm.s32 $0x50;
	s22 =	simm.s32 $0x80FF;
	[tilespmem:$0x70] =	vst v1  }
0x81: {  	s23 =	simm.s32 $0x20;
	s24 =	simm.s32 $0x30;
	s25 =	simm.s32 $0x100FF;
	[tilespmem:$0x80] =	vst v1  }
0x82: {  	s30 =	simm.s32 $0x0;
	s29 =	simm.s32 $0x0;
	s1 =	sadd.s32 $0x59A00, s0;
	v1 =	vimm.s32 $0x0;
	[tilespmem:$0xB0] =	vst v0  }
.Ltmp5:
0x83: {  	s4 =	sadd.s32 $0x11A00, s0;
	s5 =	sadd.s32 $0x15A00, s0;
	[tilespmem:$0x90] =	vst v1;
	(pc) =	sbr.rel .LBB3_1-.Ltmp5, $4  }
0x84: {  	s8 =	sshll.u32 s26, $0xD;
	s10 =	sshll.u32 s26, $0x1;
	[tilespmem:$0xA0] =	vst v1;
	[sflag:s2] =	ssyncpa.u1 $0x0  }
0x85: {  	s12 =	sshllo.u32 s26, $0x1;
	s26 =	simm.s32 $0x80;
	[sflag:s6] =	ssyncpa.u1 $0x0  }
0x86: {  	vm0 =	vmmov $0xffff;
	v2 =	vlaneseq.u32;
	s9 =	sadd.s32 $0x2000, s8;
	s11 =	sor.u32 $0x81, s10;
	[sflag:s7] =	ssyncpa.u1 $0x0  }
0x87: {  	vm1 =	vmxor vm1, vm1;
	vm2 =	vmmov $0x1;
	vm3 =	vcmask $0x3F3C;
	s13 =	sor.u32 $0x80, s10;
	s28 =	smov.u32 s8;
	[sflag:s31] =	ssyncpa.u1 $0x0  }
.LBB3_3:
0x88: {  	s0 =	sshrl.u32 s28, $0x3  }
0x89: {  	s2 =	sand.u32 $0x7, s28;
	s0 =	sadd.s32 s4, s0  }
0x8a: {  	[tilespmem:s15], [sflag:$0x7] =	stream.linear.gather [hbm4b:s0+s2], $0x2000, $0x38;
	[tilespmem:$0x12120] =	vst v63  }
.LBB3_4:
0x8b: {  	s0 =	sadd.s32 $0x2000, s28  }
0x8c: {  	s2 =	smov.u32 s8;
	s29 =	sadd.s32 $0x1, s29;
	p0 =	slt.s32 s0, s9  }
0x8d: {  	s2 =	smov.u32 @p0 s0;
	p0 =	sne.s32 s29, $0x4  }
.Ltmp6:
0x8e: {  	_ = 	snop;
	(pc) =	sbr.rel @!p0 .LBB3_13-.Ltmp6, $2  }
0x8f: {  	_ =	sdelay $0x2  }
0x90: {  	s30 =	smov.u32 s28;
	s28 =	smov.u32 s2  }
.LBB3_1:
0x91: {  	p0 =	sgt.s32 s29, $0x1  }
.Ltmp7:
0x92: {  	_ = 	snop;
	(pc) =	sbr.rel @p0 .LBB3_11-.Ltmp7, $1  }
0x93: {  	_ =	sdelay $0x3  }
0x94: {  	p0 =	seq.s32 s29, $0x0  }
.Ltmp8:
0x95: {  	_ = 	snop;
	(pc) =	sbr.rel @p0 .LBB3_3-.Ltmp8, $1  }
0x96: {  	_ =	sdelay $0x3  }
0x97: {  	_ =	swait.ge [sflag:s6], $0x2000  }
0x98: {  	[sflag:s6] =	ssyncset.done $0x0  }
0x99: {  	[sflag:s6] =	ssyncadd.s32 $0xFFFFE000;
	(ifvalue) =	ssetifvalue $0xFFFFFFFF;
	v3 =	vld.msk [tilespmem:s15+$0x0 ss:$0x1], $0xffff;
	_ =	sdelay $0x4  }
0x9a: {  	v4 =	vperm.xlane v3, v1  }
0x9b: {  	vm4 =	vlt.u32 v3, $0x1000000  }
0x9c: {  	v3 =	vnsel vm4, $0xFFFFFFFE, v3;
	vm4 =	vlt.u32 v4, $0x1000000  }
0x9d: {  	[tilespmem:$0x70] =	vst v3;
	v3 =	vnsel vm4, $0xFFFFFFFE, v4  }
0x9e: {  	s17 =	simm.s32 $0x20F0;
	[tilespmem:$0x80] =	vst v3  }
0x9f: {  	v3 =	vld.msk [tilespmem:s17+$0x0 ss:$0x1], $0xffff;
	_ =	sdelay $0x4  }
0xa0: {  	(xrf1) =	vunique.msk.u32 $0xffff, v3;
	_ =	sdelay $0xd  }
0xa1: {  	v4 =	vimm.s32 $0xFFFFFFFF;
	v5, _, _ =	vpop (xrf1)  }
0xa2: {  	vm5 =	vne.s32 v3, v4;
	vm4 =	veq.s32 v5, v2  }
0xa3: {  	vm6 =	vlt.u32 v3, $0x1000000;
	vm4 =	vmand vm5, vm4  }
0xa4: {  	vm4 =	vmand vm6, vm4  }
0xa5: {  	v4 =	vnsel vm4, $0xFFFFFFFF, v3;
	_ =	sdelay $0x3  }
0xa6: {  	s0 =	simm.s32 $0x80F0;
	(ifvalue) =	ssetifvalue $0xFFFFFFFF  }
0xa7: {  	v3 =	vperm.xlane v3, v1;
	[tilespmem:s0], [sflag:$0x8] =	stream.indirect_vreg.gather [hbm4b:s1+s14], $0x1, v4, vm0, $0x4038;
	v4 =	vnsel vm6, $0xFFFFFFFE, v4;
	[tilespmem:$0x12120] =	vst v63  }
0xa8: {  	s2 =	simm.s32 $0x0;
	s16 =	simm.s32 $0x20E0;
	[tilespmem:s17+$0x0] =	vst v4  }
.LBB3_6:
0xa9: {  	v4 =	vld.msk [tilespmem:s16+$0x0 ss:$0x1], $0xffff;
	s2 =	sadd.s32 $0x10, s2;
	v5 =	vmov v3;
	s17 =	smov.u32 s16  }
0xaa: {  	p0 =	slt.u32 s2, $0x1FF0;
	_ =	sdelay $0x4  }
0xab: {  	v3 =	vperm.xlane v4, v1;
	(xrf1) =	vunique.msk.u32 $0xffff, v4;
	_ =	sdelay $0xd  }
0xac: {  	v6, _, _ =	vpop (xrf1)  }
0xad: {  	vm5 =	vne.s32 v4, v5;
	vm4 =	veq.s32 v6, v2  }
0xae: {  	vm6 =	vlt.u32 v4, $0x1000000;
	vm4 =	vmand vm5, vm4  }
0xaf: {  	vm4 =	vmand vm6, vm4  }
0xb0: {  	v4 =	vnsel vm4, $0xFFFFFFFF, v4  }
.Ltmp9:
0xb1: {  	v5 =	vnsel vm6, $0xFFFFFFFE, v4;
	(pc) =	sbr.rel @p0 .LBB3_6-.Ltmp9, $3  }
0xb2: {  	_ =	sdelay $0x1  }
0xb3: {  	s16 =	sadd.s32 $0xFFFFFFF0, s16;
	s0 =	sadd.s32 $0xFFFFFFF0, s0;
	(ifvalue) =	ssetifvalue $0xFFFFFFFF  }
0xb4: {  	[tilespmem:s0], [sflag:$0x8] =	stream.indirect_vreg.gather [hbm4b:s1+s14], $0x1, v4, vm0, $0x4038;
	[tilespmem:s17+$0x0] =	vst v5  }
.Ltmp10:
0xb5: {  	(pc) =	sbr.rel .LBB3_4-.Ltmp10, $4  }
0xb6: {  	_ = 	snop  }
0xb7: {  	s0 =	sshrl.u32 s30, $0x3  }
0xb8: {  	s2 =	simm.s32 $0xA100;
	s0 =	sadd.s32 s5, s0  }
0xb9: {  	[tilespmem:s2], [sflag:$0x8] =	stream.linear.gather [hbm:s0], $0x2000, $0x38;
	[tilespmem:$0x12120] =	vst v63  }
.LBB3_11:
0xba: {  	p0 =	seq.s32 s29, $0x2  }
.Ltmp11:
0xbb: {  	_ = 	snop;
	(pc) =	sbr.rel @!p0 .LBB3_12-.Ltmp11, $1  }
0xbc: {  	_ =	sdelay $0x3  }
0xbd: {  	_ =	swait.ge [sflag:s7], $0x4000  }
0xbe: {  	[sflag:s7] =	ssyncset.done $0x0  }
0xbf: {  	s0 =	simm.s32 $0x20FF;
	[sflag:s7] =	ssyncadd.s32 $0xFFFFC000  }
0xc0: {  	[spmem:s11] =	stream.linear.scatter [tilespmem:s0], [sflag:$0x1], $0x1, $0x38;
	[tilespmem:$0x12120] =	vst v63  }
0xc1: {  	_ =	swait.ge [sflag:s3], $0x1  }
0xc2: {  	[sflag:s3] =	ssyncset.done $0x0  }
0xc3: {  	[sflag:s3] =	ssyncadd.s32 $0xFFFFFFFF  }
0xc4: {  	v4 =	vld [tilespmem:$0x10]  }
0xc5: {  	v5 =	vld [tilespmem:$0x70]  }
0xc6: {  	v3 =	vld [tilespmem:$0x80];
	_ =	sdelay $0x2  }
0xc7: {  	(v2sf) =	vpush v4, $0x0  }
0xc8: {  	(v2sf) =	vpush v5, $0x0  }
0xc9: {  	(v2sf) =	vpush v3, $0x0;
	_ =	sdelay $0xc  }
0xca: {  	s16 =	spop (v2sf)  }
0xcb: {  	s2 =	spop (v2sf)  }
0xcc: {  	s30 =	spop (v2sf)  }
0xcd: {  	p0 =	seq.s32 s16, s2;
	p1 =	seq.s32 s30, s16  }
0xce: {  	p1 =	por p0, p1  }
0xcf: {  	v4 =	vpsel p1, $0xFFFFFFFF, v4  }
0xd0: {  	[tilespmem:s18+$0x0] =	vst.msk $0x1, v4  }
0xd1: {  	v4 =	vld [tilespmem:$0x30]  }
0xd2: {  	v5 =	vld [tilespmem:$0xA100]  }
0xd3: {  	v6 =	vld [tilespmem:$0x40];
	_ =	sdelay $0x3  }
0xd4: {  	vm4 =	vmmov vm1;
	v5 =	vadd.f32 v5, v4  }
0xd5: {  	vm5 =	vmmov vm2;
	s31 =	simm.s32 $0xA100;
	vm4 =	vmmov @p0 vm2;
	v4 =	vadd.f32 v6, v4  }
0xd6: {  	vm5 =	vmmov @p1 vm1;
	[tilespmem:s31+$0x0] =	vst.msk vm4, v5  }
0xd7: {  	[tilespmem:s19+$0x0] =	vst.msk vm5, v4  }
0xd8: {  	v4 =	vld [tilespmem:$0x80F0];
	_ =	sdelay $0x3  }
0xd9: {  	v5 =	vimm.f32 $0.0e+00  }
0xda: {  	v4 =	vshift.insert v4, v5, s20;
	_ =	sdelay $0x1  }
0xdb: {  	[tilespmem:s21+$0x0] =	vst.msk $0x1, v4  }
0xdc: {  	[tilespmem:s22+$0x0] =	vst.msk $0x1, v5  }
0xdd: {  	v4 =	vld [tilespmem:$0x20F0];
	_ =	sdelay $0x4  }
0xde: {  	v4 =	vshift.insert v4, v1, s20;
	_ =	sdelay $0x1  }
0xdf: {  	[tilespmem:s23+$0x0] =	vst.msk $0x1, v4  }
0xe0: {  	s17 =	simm.s32 $0x100;
	v6 =	vld [tilespmem:s31+$0x0]  }
0xe1: {  	v7 =	vld [tilespmem:s17+$0x0];
	_ =	sdelay $0x3  }
0xe2: {  	v5 =	vadd.f32 v6, v5  }
0xe3: {  	vm4 =	vne.s32 v7, $0xFFFFFFFF  }
0xe4: {  	(xrf2) =	vadd.seg.scan.f32 vm4, v5;
	_ =	sdelay $0x3  }
0xe5: {  	s0 =	simm.s32 $0x6100;
	v5 =	vperm.xlane v4, v1  }
0xe6: {  	v6 =	vld [tilespmem:s0+$0x0]  }
0xe7: {  	vm5 =	veq.s32 v7, v3;
	vm6 =	veq.s32 v7, v5  }
0xe8: {  	vm7 =	vgt.u32 v7, $0xFFFFFFFD;
	vm6 =	vmor vm6, vm5  }
0xe9: {  	vm6 =	vmor vm6, vm7  }
0xea: {  	v9 =	vld [tilespmem:$0xA0];
	v7 =	vsel vm6, $0xFFFFFFFF, v7  }
0xeb: {  	v10 =	vld [tilespmem:$0x90];
	v6 =	vsel vm5, $0x0, v6;
	v8, _, _ =	vpop (xrf2)  }
0xec: {  	v6 =	vadd.f32 v8, v6  }
0xed: {  	s2 =	simm.s32 $0xE100  }
0xee: {  	vm4 =	vmand vm4, vm3;
	[tilespmem:s2+$0x0] =	vst v6;
	(ifvalue) =	ssetifvalue $0xFFFFFFFF  }
0xef: {  	vm6 =	veq.s32 v9, $0x1;
	[hbm4b:s1+s14] =	stream.indirect_vreg.scatter [tilespmem:s2], [sflag:$0x2], $0x1, v7, vm0, $0x4038;
	v7 =	vsel vm4, $0x0, v8;
	[tilespmem:$0x12120] =	vst v63  }
0xf0: {  	s16 =	simm.s32 $0x0;
	s17 =	simm.s32 $0x110;
	vm4 =	vmor vm6, vm5;
	v6 =	vsel vm5, v8, v10;
	v7 =	vshift.insert v7, v0, s20  }
.LBB3_9:
0xf1: {  	v8 =	vld [tilespmem:s17+$0x0];
	s31 =	sadd.s32 $0x10, s31  }
0xf2: {  	s0 =	sadd.s32 $0x10, s0;
	v9 =	vld [tilespmem:s31+$0x0]  }
0xf3: {  	s16 =	sadd.s32 $0x10, s16;
	v10 =	vld [tilespmem:s0+$0x0]  }
0xf4: {  	p0 =	slt.u32 s16, $0x1FF0;
	_ =	sdelay $0x2  }
0xf5: {  	v7 =	vadd.f32 v9, v7  }
0xf6: {  	vm5 =	vne.s32 v8, $0xFFFFFFFF  }
0xf7: {  	vm6 =	vmand vm5, vm3;
	(xrf2) =	vadd.seg.scan.f32 vm5, v7;
	_ =	sdelay $0x5  }
0xf8: {  	vm7 =	veq.s32 v8, v5;
	vm5 =	veq.s32 v8, v3  }
0xf9: {  	vm8 =	vgt.u32 v8, $0xFFFFFFFD;
	vm4 =	vmor vm4, vm5;
	vm7 =	vmor vm7, vm5  }
0xfa: {  	vm7 =	vmor vm7, vm8  }
0xfb: {  	v8 =	vsel vm7, $0xFFFFFFFF, v8  }
.Ltmp12:
0xfc: {  	v7 =	vsel vm5, $0x0, v10;
	v9, _, _ =	vpop (xrf2);
	(pc) =	sbr.rel @p0 .LBB3_9-.Ltmp12, $4  }
0xfd: {  	v6 =	vsel vm5, v9, v6;
	v10 =	vadd.f32 v9, v7;
	v7 =	vsel vm6, $0x0, v9  }
0xfe: {  	s2 =	sadd.s32 $0x10, s2;
	v7 =	vshift.insert v7, v0, s20  }
0xff: {  	s17 =	sadd.s32 $0x10, s17;
	[tilespmem:s2+$0x0] =	vst v10;
	(ifvalue) =	ssetifvalue $0xFFFFFFFF  }
0x100: {  	[hbm4b:s1+s14] =	stream.indirect_vreg.scatter [tilespmem:s2], [sflag:$0x2], $0x1, v8, vm0, $0x4038;
	[tilespmem:$0x12120] =	vst v63  }
0x101: {  	v3 =	vld [tilespmem:$0x100F0];
	_ =	sdelay $0x4  }
0x102: {  	v3 =	vshift.insert v3, v0, s20;
	_ =	sdelay $0x1  }
0x103: {  	[tilespmem:s24+$0x0] =	vst.msk $0x1, v3  }
0x104: {  	v3 =	vsel vm4, $0x1, v1;
	[tilespmem:$0x90] =	vst v6  }
0x105: {  	[tilespmem:$0xA0] =	vst v3  }
0x106: {  	[spmem:s12] =	stream.linear.scatter [tilespmem:s25], [sflag:$0x1], $0x1, $0x38;
	[tilespmem:$0x12120] =	vst v63  }
0x107: {  	v3 =	vmctz.xlane vm4;
	_ =	swait.ge [sflag:s3], $0x1  }
0x108: {  	(v2sf) =	vpush v4, $0x0  }
0x109: {  	(v2sf) =	vpush v3, $0x0;
	_ =	sdelay $0xd  }
0x10a: {  	s0 =	spop (v2sf)  }
0x10b: {  	s2 =	spop (v2sf)  }
0x10c: {  	[sflag:s3] =	ssyncset.done $0x0;
	p0 =	sne.s32 s30, s0;
	p1 =	slt.s32 s2, $0xF  }
0x10d: {  	[sflag:s3] =	ssyncadd.s32 $0xFFFFFFFF;
	v3 =	vimm.s32 @!p0 $0xFFFFFFFF;
	s2 =	simm.s32 @!p1 $0xF  }
0x10e: {  	[tilespmem:$0x80] =	vst @!p0 v3;
	s31 =	sadd.s32 $0x90, s2  }
0x10f: {  	[spmem:s10] =	stream.linear.scatter [tilespmem:s31], [sflag:$0x1], $0x1, $0x38;
	[tilespmem:$0x12120] =	vst v63  }
0x110: {  	_ =	swait.ge [sflag:s3], $0x1  }
0x111: {  	[sflag:s3] =	ssyncset.done $0x0  }
0x112: {  	[sflag:s3] =	ssyncadd.s32 $0xFFFFFFFF  }
0x113: {  	[spmem:s13] =	stream.linear.scatter [tilespmem:s26], [sflag:$0x1], $0x1, $0x38;
	[tilespmem:$0x12120] =	vst v63  }
0x114: {  	_ =	swait.ge [sflag:s3], $0x1  }
0x115: {  	[sflag:s3] =	ssyncset.done $0x0  }
0x116: {  	[sflag:s3] =	ssyncadd.s32 $0xFFFFFFFF;
	(ifvalue) =	ssetifvalue $0xFFFFFFFF;
	v3 =	vld [tilespmem:$0x10];
	_ =	sdelay $0x3  }
.Ltmp13:
0x117: {  	_ = 	snop;
	(pc) =	sbr.rel .LBB3_4-.Ltmp13, $3  }
0x118: {  	_ =	sdelay $0x1  }
0x119: {  	(ifvalue) =	ssetifvalue $0xFFFFFFFF  }
0x11a: {  	[hbm4b:s1+s14] =	stream.indirect_vreg.scatter [tilespmem:s19], [sflag:$0x9], $0x1, v3, vm0, $0x4038;
	[tilespmem:$0x12120] =	vst v63  }
.LBB3_12:
0x11b: {  	s0 =	simm.s32 $0x2  }
0x11c: {  	_ =	swait.ge [sflag:s0], $0x2000  }
0x11d: {  	[sflag:s0] =	ssyncset.done $0x0  }
0x11e: {  	s31 =	simm.s32 $0x9;
	[sflag:s0] =	ssyncadd.s32 $0xFFFFE000  }
0x11f: {  	_ =	swait.ge [sflag:s31], $0x10  }
0x120: {  	[sflag:s31] =	ssyncset.done $0x0  }
0x121: {  	[sflag:s31] =	ssyncadd.s32 $0xFFFFFFF0  }
.LBB3_13:
0x122: {  	_ =	sfence.sel $0x180000  }
0x123: {  	s0 =	simm.s32 $0x7;
	[bflag:$0x0] =	sbarrier.arrive $0xFFFF  }
0x124: {  	s26 =	simm.s32 $0x8;
	[sflag:s0] =	ssyncpa.u1 $0x1  }
0x125: {  	s28 =	simm.s32 $0x9;
	[sflag:s26] =	ssyncpa.u1 $0x1  }
0x126: {  	[sflag:s28] =	ssyncpa.u1 $0x1  }
0x127: {  	_ =	sfence.stream.spmem  }
0x128: {  	s29 =	simm.s32 $0x3;
	[bflag:$0x0] =	sbarrier.arrive $0xFFFF  }
0x129: {  	s30 =	simm.s32 $0x4;
	[sflag:s29] =	ssyncpa.u1 $0x1  }
0x12a: {  	s31 =	simm.s32 $0x3C;
	s2 =	stileid.u32;
	[sflag:s30] =	ssyncpa.u1 $0x1  }
0x12b: {  	p0 =	sne.s32 s2, $0x0;
	[sflag:s31] =	ssyncpa.u1 $0x1  }
0x12c: {  	s0 =	simm.s32 @p0 $0x1;
	_ =	sfence @p0  }
0x12d: {  	[sflag:s0] =	ssyncpa.u1 @p0 $0x1;
	s0 =	simm.s32 @p0 $0x2  }
0x12e: {  	[sflag:s0] =	ssyncpa.u1 @p0 $0x1  }
0x12f: {  	_ =	strace @p0 $0x9000004A  }
0x130: {  	[bflag:$0x2] =	sbarrier.arrive @p0 $0xFFFF  }
0x131: {  	_ =	shalt @p0  }
.LBB3_14:
0x132: {  	_ =	sfence.stream.spmem;
	s0 =	simm.s32 $0x5  }
0x133: {  	s2 =	simm.s32 $0x80;
	s3 =	simm.s32 $0xC0;
	[sflag:s0] =	ssyncpa.u1 $0x0  }
0x134: {  	[tilespmem:s3], [sflag:$0x5] =	stream.linear.gather [spmem:s2], $0x20, $0x38;
	[tilespmem:$0x12120] =	vst v63  }
0x135: {  	s2 =	simm.s32 $0x0;
	s3 =	simm.s32 $0xE0  }
0x136: {  	[tilespmem:s3], [sflag:$0x5] =	stream.linear.gather [spmem:s2], $0x20, $0x38;
	[tilespmem:$0x12120] =	vst v63  }
.Ltmp14:
0x137: {  	_ = 	snop;
	(pc) =	sbr.rel .LBB3_15-.Ltmp14, $4  }
0x138: {  	_ =	swait.ge [sflag:s0], $0x40  }
0x139: {  	[sflag:s0] =	ssyncset.done $0x0  }
0x13a: {  	s31 =	simm.s32 $0x6;
	[sflag:s0] =	ssyncadd.s32 $0xFFFFFFC0  }
0x13b: {  	s4 =	simm.s32 $0x0;
	[sflag:s31] =	ssyncpa.u1 $0x0  }
.LBB3_20:
0x13c: {  	p0 =	sgt.u32 s0, $0xFFFFFF  }
0x13d: {  	s5 =	sshrl.u32 @!p0 s0, $0x3  }
0x13e: {  	s0 =	sand.u32 @!p0 $0x7, s0;
	s6 =	simm.s32 @!p0 $0xB0;
	s5 =	sadd.s32 @!p0 s1, s5  }
0x13f: {  	[tilespmem:s6], [sflag:$0x6] =	stream.linear.gather @!p0 [hbm4b:s5+s0], $0x1, $0x38;
	[tilespmem:$0x12120] =	vst v63  }
0x140: {  	s0 =	simm.s32 @!p0 $0x6  }
0x141: {  	_ =	swait.ge @!p0 [sflag:s0], $0x1  }
0x142: {  	[sflag:s0] =	ssyncset.done @!p0 $0x0  }
0x143: {  	[sflag:s0] =	ssyncadd.s32 @!p0 $0xFFFFFFFF  }
0x144: {  	v2 =	vmov @!p0 s4;
	v1 =	vld.msk @!p0 [tilespmem:$0xB0], $0x1;
	_ =	sdelay $0x3  }
0x145: {  	s0 =	simm.s32 @!p0 $0xE0  }
0x146: {  	[tilespmem:v2+s0+$0x0], v1 =	vst.idx.ret.add.f32.msk @!p0 $0x1, v1  }
0x147: {  	[tilespmem:s2+$0xC0] =	vst.msk $0x1, v0  }
0x148: {  	v0 =	vld.msk [tilespmem:s4+$0xE0], $0x1;
	_ =	sdelay $0x4  }
0x149: {  	[tilespmem:s2+$0xE0] =	vst.msk $0x1, v0;
	s2 =	sadd.s32 $0x1, s2  }
.LBB3_22:
0x14a: {  	s4 =	sadd.s32 $0x1, s4  }
0x14b: {  	p0 =	sne.s32 s4, $0x20  }
.Ltmp15:
0x14c: {  	_ = 	snop;
	(pc) =	sbr.rel @!p0 .LBB3_23-.Ltmp15, $1  }
0x14d: {  	_ =	sdelay $0x3  }
.LBB3_15:
0x14e: {  	v0 =	vld.msk [tilespmem:s4+$0xC0], $0x1;
	_ =	sdelay $0x4  }
0x14f: {  	(v2sf) =	vpush v0, $0x0;
	_ =	sdelay $0xe  }
0x150: {  	s0 =	spop (v2sf)  }
0x151: {  	p0 =	seq.s32 s0, $0xFFFFFFFF  }
.Ltmp16:
0x152: {  	_ = 	snop;
	(pc) =	sbr.rel @p0 .LBB3_22-.Ltmp16, $1  }
0x153: {  	_ =	sdelay $0x3  }
0x154: {  	p0 =	slt.s32 s2, $0x1  }
.Ltmp17:
0x155: {  	_ = 	snop;
	(pc) =	sbr.rel @p0 .LBB3_20-.Ltmp17, $1  }
0x156: {  	_ =	sdelay $0x3  }
0x157: {  	s5 =	simm.s32 $0xC0;
	p0 =	por $0x0, $0x0  }
0x158: {  	v1 =	vld.msk @!p0 [tilespmem:s5+$0x0], $0x1;
	_ =	sdelay $0x4  }
0x159: {  	(v2sf) =	vpush @!p0 v1, $0x0;
	_ =	sdelay $0xd  }
0x15a: {  	p2 =	sne.s32 s2, $0x1  }
.Ltmp18:
0x15b: {  	s6 =	spop @!p0 (v2sf);
	(pc) =	sbr.rel @!p2 .LBB3_19-.Ltmp18, $4  }
0x15c: {  	p1 =	seq.s32 @!p0 s0, s6  }
0x15d: {  	s6 =	simm.s32 $0x0;
	p1 =	por !p1, p0  }
0x15e: {  	s8 =	simm.s32 $0xFFFFFFFF;
	s6 =	simm.s32 @p1 $0xFFFFFFFF  }
0x15f: {  	s7 =	simm.s32 $0x1;
	s6 =	smov.u32 @p0 s8  }
.LBB3_18:
0x160: {  	s8 =	smov.u32 s6;
	p0 =	sne.s32 s6, $0xFFFFFFFF  }
0x161: {  	s5 =	sadd.s32 $0x1, s5;
	s6 =	smov.u32 s7;
	s7 =	sadd.s32 $0x1, s7  }
0x162: {  	p1 =	sne.s32 s2, s7;
	v1 =	vld.msk @!p0 [tilespmem:s5+$0x0], $0x1;
	_ =	sdelay $0x4  }
0x163: {  	(v2sf) =	vpush @!p0 v1, $0x0;
	_ =	sdelay $0xe  }
.Ltmp19:
0x164: {  	s9 =	spop @!p0 (v2sf);
	(pc) =	sbr.rel @p1 .LBB3_18-.Ltmp19, $4  }
0x165: {  	p2 =	seq.s32 @!p0 s0, s9  }
0x166: {  	p2 =	por !p2, p0  }
0x167: {  	s6 =	simm.s32 @p2 $0xFFFFFFFF  }
0x168: {  	s6 =	smov.u32 @p0 s8  }
.LBB3_19:
0x169: {  	p0 =	sne.s32 s6, $0xFFFFFFFF  }
.Ltmp20:
0x16a: {  	_ = 	snop;
	(pc) =	sbr.rel @!p0 .LBB3_20-.Ltmp20, $1  }
0x16b: {  	_ =	sdelay $0x3  }
0x16c: {  	v0 =	vld.msk [tilespmem:s4+$0xE0], $0x1;
	v1 =	vmov s6  }
.Ltmp21:
0x16d: {  	_ = 	snop;
	(pc) =	sbr.rel .LBB3_22-.Ltmp21, $2  }
0x16e: {  	_ =	sdelay $0x2  }
0x16f: {  	[tilespmem:v1+s3+$0x0], v0 =	vst.idx.ret.add.f32.msk $0x1, v0  }
.LBB3_23:
0x170: {  	p0 =	slt.s32 s2, $0x1  }
.Ltmp22:
0x171: {  	_ = 	snop;
	(pc) =	sbr.rel @p0 .LBB3_27-.Ltmp22, $3  }
0x172: {  	_ =	sdelay $0x1  }
0x173: {  	s0 =	simm.s32 $0x6  }
0x174: {  	[sflag:s0] =	ssyncpa.u1 $0x1;
	s0 =	simm.s32 $0x0  }
0x175: {  	s3 =	simm.s32 $0xC0  }
0x176: {  	v0 =	vld.msk [tilespmem:s3+$0x0], $0x1;
	_ =	sdelay $0x4  }
0x177: {  	(v2sf) =	vpush v0, $0x0;
	_ =	sdelay $0xe  }
0x178: {  	s2 =	sadd.s32 $0xFFFFFFFF, s2;
	s4 =	spop (v2sf)  }
0x179: {  	p1 =	sne.s32 s2, $0x0;
	p0 =	sgt.u32 s4, $0xFFFFFF  }
.Ltmp23:
0x17a: {  	s5 =	sshrl.u32 @!p0 s4, $0x3;
	(pc) =	sbr.rel @!p1 .LBB3_26-.Ltmp23, $4  }
0x17b: {  	s3 =	simm.s32 $0xE0;
	s4 =	sand.u32 @!p0 $0x7, s4;
	s5 =	sadd.s32 @!p0 s1, s5  }
0x17c: {  	[hbm4b:s5+s4] =	stream.linear.scatter @!p0 [tilespmem:s3], [sflag:$0x5], $0x1, $0x38;
	[tilespmem:$0x12120] =	vst v63  }
0x17d: {  	s5 =	simm.s32 $0x0  }
0x17e: {  	s4 =	simm.s32 $0xC1;
	s5 =	simm.s32 @!p0 $0x4  }
.LBB3_25:
0x17f: {  	v0 =	vld.msk [tilespmem:s4+$0x0], $0x1;
	s2 =	sadd.s32 $0xFFFFFFFF, s2;
	s0 =	sadd.s32 s0, s5  }
0x180: {  	p0 =	sne.s32 s2, $0x0;
	_ =	sdelay $0x3  }
0x181: {  	(v2sf) =	vpush v0, $0x0;
	_ =	sdelay $0xe  }
.Ltmp24:
0x182: {  	s6 =	spop (v2sf);
	(pc) =	sbr.rel @p0 .LBB3_25-.Ltmp24, $4  }
0x183: {  	s5 =	simm.s32 $0x0;
	p1 =	sgt.u32 s6, $0xFFFFFF  }
0x184: {  	s3 =	sadd.s32 $0x1, s3;
	s5 =	simm.s32 @!p1 $0x4;
	s7 =	sshrl.u32 @!p1 s6, $0x3  }
0x185: {  	s4 =	sadd.s32 $0x1, s4;
	s6 =	sand.u32 @!p1 $0x7, s6;
	s7 =	sadd.s32 @!p1 s1, s7  }
0x186: {  	[hbm4b:s7+s6] =	stream.linear.scatter @!p1 [tilespmem:s3], [sflag:$0x5], $0x1, $0x38;
	[tilespmem:$0x12120] =	vst v63  }
.LBB3_26:
0x187: {  	s0 =	sadd.s32 s0, s5  }
0x188: {  	s0 =	sshrl.u32 s0, $0x2  }
.LBB3_27:
0x189: {  	s1 =	simm.s32 $0x5  }
0x18a: {  	_ =	swait.ge [sflag:s1], s0  }
0x18b: {  	s28 =	ssub.s32 $0x0, s0;
	[sflag:s1] =	ssyncset.done $0x0  }
0x18c: {  	[sflag:s1] =	ssyncadd.s32 s28  }
0x18d: {  	[sflag:s1] =	ssyncpa.u1 $0x1  }
0x18e: {  	s29 =	simm.s32 $0x1;
	_ =	sfence  }
0x18f: {  	s30 =	simm.s32 $0x2;
	[sflag:s29] =	ssyncpa.u1 $0x1  }
0x190: {  	[sflag:s30] =	ssyncpa.u1 $0x1  }
0x191: {  	_ =	strace $0x9000004A  }
0x192: {  	[bflag:$0x2] =	sbarrier.arrive $0xFFFF  }
0x193: {  	s31 =	rddreg [dreg:$0x1]  }
0x194: {  	s0 =	sadd.s32 $0x100000, s31  }
0x195: {  	[sflag:s0] =	ssyncadd.tile.s32 $0x1;
	_ =	shalt  }
.Lfunc_end3:
_tile_overlayer_lowered:
.L_overlay_start_3:
0x196: {  	(tag) =	ssettag $0x3  }
0x197: {  	s0 =	rddreg [dreg:$0x0];
	s2 =	stileid.u32  }
0x198: {  	s1 =	rddreg [dreg:$0x1];
	p0 =	sne.s32 s2, $0x0  }
0x199: {  	s3 =	rddreg [dreg:$0x2];
	[bflag:$0x3] =	sbarrier.arrive $0xFFFF;
	s2 =	simm.s32 @!p0 $0x1C01  }
0x19a: {  	[timem:s3], [sflag:s2] =	dma.local @!p0 [hbm:s0], s1  }
0x19b: {  	s0 =	simm.s32 @!p0 $0x1  }
0x19c: {  	_ =	swait.ge @!p0 [sflag:s0], s1  }
0x19d: {  	s1 =	ssub.s32 @!p0 $0x0, s1;
	[sflag:s0] =	ssyncset.done @!p0 $0x0  }
0x19e: {  	[sflag:s0] =	ssyncadd.s32 @!p0 s1  }
0x19f: {  	[bflag:$0x3] =	sbarrier.arrive $0xFFFF  }
0x1a0: {  	_ =	shalt  }

</sc_bundles>
